<compile_context>
chip_gen: v7x
topology: tpu7x:2x2x1
jax: 0.10.2.dev20260603
libtpu: 0.0.44.dev20260713+nightly
codegen_flags: <defaults>
</compile_context>

<pallas_src>
import functools

import jax
import jax.numpy as jnp
from jax import lax
from jax.experimental import pallas as pl
from jax.experimental.pallas import tpu as pltpu
from jax.experimental.pallas import tpu_sc as plsc

B = 16384
F = 26
V = 100000
E = 16
ND = 13
H1, H2 = 256, 128

_NC = 2
_NS = 16
_NW = _NC * _NS
_P = F * E
_PPW = _P // _NW
_BC = 4096
_NBC = B // _BC


def _build_gather():
    mesh = plsc.VectorSubcoreMesh(core_axis_name="c", subcore_axis_name="s")

    @functools.partial(
        pl.kernel,
        mesh=mesh,
        compiler_params=pltpu.CompilerParams(needs_layout_passes=False),
        out_type=jax.ShapeDtypeStruct((_P, B), jnp.float32),
        scratch_types=[
            pltpu.VMEM((V,), jnp.float32),
            pltpu.VMEM((B,), jnp.int32),
            pltpu.VMEM((_BC,), jnp.float32),
            pltpu.VMEM((_BC,), jnp.float32),
            pltpu.SemaphoreType.DMA,
            pltpu.SemaphoreType.DMA,
            pltpu.SemaphoreType.DMA,
            pltpu.SemaphoreType.DMA,
        ],
    )
    def gather_k(tt_hbm, idxt_hbm, out_hbm, plane_v, idxf, ob0, ob1,
                 psem, isem, osem0, osem1):
        wid = lax.axis_index("s") * _NC + lax.axis_index("c")
        p0 = wid * _PPW
        obs = (ob0, ob1)
        osems = (osem0, osem1)

        @pl.loop(0, _PPW)
        def _plane(p):
            pe = p0 + p
            f = pe // E
            e = pe % E
            pltpu.async_copy(tt_hbm.at[f, e], plane_v, psem)
            new_f = jnp.logical_or(p == 0, e == 0)

            @pl.when(new_f)
            def _():
                pltpu.async_copy(idxt_hbm.at[f], idxf, isem)

            @pl.when(p > 0)
            def _():
                for b in range(2):
                    pltpu.make_async_copy(
                        obs[b], out_hbm.at[pe, pl.ds(0, _BC)], osems[b]
                    ).wait()

            @pl.when(new_f)
            def _():
                pltpu.make_async_copy(idxt_hbm.at[f], idxf, isem).wait()

            pltpu.make_async_copy(tt_hbm.at[f, e], plane_v, psem).wait()

            @pl.loop(0, _NBC, step=2)
            def _c2(c0):
                for b in range(2):
                    c = c0 + b

                    @pl.when(c >= 2)
                    def _():
                        pltpu.make_async_copy(
                            obs[b], out_hbm.at[pe, pl.ds(0, _BC)], osems[b]
                        ).wait()

                    base = c * _BC

                    @plsc.parallel_loop(0, _BC // 16, unroll=8)
                    def _g(i):
                        ii = idxf[pl.ds(base + i * 16, 16)]
                        obs[b][pl.ds(i * 16, 16)] = plsc.load_gather(
                            plane_v, [ii])

                    pltpu.async_copy(
                        obs[b], out_hbm.at[pe, pl.ds(c * _BC, _BC)], osems[b])

        for b in range(2):
            pltpu.make_async_copy(
                obs[b], out_hbm.at[0, pl.ds(0, _BC)], osems[b]
            ).wait()

    return gather_k


_sc_gather = _build_gather()


_BB = 1024
_NB = B // _BB


def _gelu(x):
    return 0.5 * x * (1.0 + lax.erf(x * 0.7071067811865476))


def _mlp1_body(emb_ref, xn_ref, w1e_ref, w1n_ref, b1_ref, h1_ref, stats_ref,
               acc_ref):
    i = pl.program_id(0)

    @pl.when(i == 0)
    def _():
        acc_ref[...] = jnp.zeros_like(acc_ref)

    h = (lax.dot_general(w1e_ref[...], emb_ref[...], (((1,), (0,)), ((), ())),
                         preferred_element_type=jnp.float32)
         + lax.dot_general(w1n_ref[...], xn_ref[...], (((1,), (1,)), ((), ())),
                           preferred_element_type=jnp.float32)
         + b1_ref[...])
    h1_ref[...] = h.astype(jnp.bfloat16)
    acc_ref[...] += jnp.concatenate(
        [jnp.sum(h, axis=1, keepdims=True),
         jnp.sum(h * h, axis=1, keepdims=True)], axis=1)

    @pl.when(i == pl.num_programs(0) - 1)
    def _():
        stats_ref[...] = acc_ref[...]


def _mlp2_body(h1_ref, stats_ref, g1_ref, be1_ref, w2_ref, b2_ref, h2_ref,
               stats2_ref, acc_ref):
    i = pl.program_id(0)

    @pl.when(i == 0)
    def _():
        acc_ref[...] = jnp.zeros_like(acc_ref)

    mu = stats_ref[:, 0:1] * (1.0 / B)
    var = stats_ref[:, 1:2] * (1.0 / B) - mu * mu
    inv = lax.rsqrt(var + 1e-5)
    h1 = h1_ref[...].astype(jnp.float32)
    a = _gelu((h1 - mu) * (inv * g1_ref[...]) + be1_ref[...])
    h = (lax.dot_general(w2_ref[...], a, (((1,), (0,)), ((), ())),
                         preferred_element_type=jnp.float32) + b2_ref[...])
    h2_ref[...] = h.astype(jnp.bfloat16)
    acc_ref[...] += jnp.concatenate(
        [jnp.sum(h, axis=1, keepdims=True),
         jnp.sum(h * h, axis=1, keepdims=True)], axis=1)

    @pl.when(i == pl.num_programs(0) - 1)
    def _():
        stats2_ref[...] = acc_ref[...]


def _mlp3_body(h2_ref, stats2_ref, g2_ref, be2_ref, w3_ref, b3_ref, out_ref):
    mu = stats2_ref[:, 0:1] * (1.0 / B)
    var = stats2_ref[:, 1:2] * (1.0 / B) - mu * mu
    inv = lax.rsqrt(var + 1e-5)
    h2 = h2_ref[...].astype(jnp.float32)
    a = _gelu((h2 - mu) * (inv * g2_ref[...]) + be2_ref[...])
    o = jnp.sum(a * w3_ref[...], axis=0, keepdims=True)
    out_ref[...] = o + b3_ref[...]


def _full(shape):
    return pl.BlockSpec(shape, lambda i: (0, 0))


_seq = pltpu.CompilerParams(dimension_semantics=("arbitrary",))


def kernel(x_num, tables, W1, b1, g1, be1, W2, b2, g2, be2, W3, b3, x_cat):
    tt = jnp.swapaxes(tables, 1, 2)
    idx_t = x_cat.astype(jnp.int32).T
    emb_t = _sc_gather(tt, idx_t)

    W1e = W1[:, :F * E]
    W1n = W1[:, F * E:]
    b1c = b1.reshape(H1, 1)
    g1c = g1.reshape(H1, 1)
    be1c = be1.reshape(H1, 1)
    b2c = b2.reshape(H2, 1)
    g2c = g2.reshape(H2, 1)
    be2c = be2.reshape(H2, 1)
    w3c = W3.reshape(H2, 1)
    b3c = b3.reshape(1, 1)

    h1, stats1 = pl.pallas_call(
        _mlp1_body,
        grid=(_NB // 2,),
        in_specs=[
            pl.BlockSpec((_P, 2 * _BB), lambda i: (0, i)),
            pl.BlockSpec((2 * _BB, ND), lambda i: (i, 0)),
            _full((H1, _P)),
            _full((H1, ND)),
            _full((H1, 1)),
        ],
        out_specs=[
            pl.BlockSpec((H1, 2 * _BB), lambda i: (0, i)),
            _full((H1, 2)),
        ],
        out_shape=[
            jax.ShapeDtypeStruct((H1, B), jnp.bfloat16),
            jax.ShapeDtypeStruct((H1, 2), jnp.float32),
        ],
        scratch_shapes=[pltpu.VMEM((H1, 2), jnp.float32)],
        compiler_params=_seq,
    )(emb_t, x_num, W1e, W1n, b1c)

    h2, stats2 = pl.pallas_call(
        _mlp2_body,
        grid=(_NB // 2,),
        in_specs=[
            pl.BlockSpec((H1, 2 * _BB), lambda i: (0, i)),
            _full((H1, 2)),
            _full((H1, 1)),
            _full((H1, 1)),
            _full((H2, H1)),
            _full((H2, 1)),
        ],
        out_specs=[
            pl.BlockSpec((H2, 2 * _BB), lambda i: (0, i)),
            _full((H2, 2)),
        ],
        out_shape=[
            jax.ShapeDtypeStruct((H2, B), jnp.bfloat16),
            jax.ShapeDtypeStruct((H2, 2), jnp.float32),
        ],
        scratch_shapes=[pltpu.VMEM((H2, 2), jnp.float32)],
        compiler_params=_seq,
    )(h1, stats1, g1c, be1c, W2, b2c)

    out = pl.pallas_call(
        _mlp3_body,
        grid=(_NB // 2,),
        in_specs=[
            pl.BlockSpec((H2, 2 * _BB), lambda i: (0, i)),
            _full((H2, 2)),
            _full((H2, 1)),
            _full((H2, 1)),
            _full((H2, 1)),
            _full((1, 1)),
        ],
        out_specs=pl.BlockSpec((1, 2 * _BB), lambda i: (0, i)),
        out_shape=jax.ShapeDtypeStruct((1, B), jnp.float32),
        compiler_params=_seq,
    )(h2, stats2, g2c, be2c, w3c, b3c)

    return out.reshape(B)

# --- scband reference (transcript-rebuilt; emitter-appended) ---
"""Pipeline reference for scband-risk-nn-15487652069427 (READ-ONLY COPY).

The authoritative reference and input builder live on the scoring server;
editing this copy changes nothing except your own understanding.
"""

import jax, jax.numpy as jnp
import numpy as np

B = 16384
NUM_FIELDS = 26
VOCAB = 100000
EMB = 16
NUM_DENSE = 13
IN_DIM = NUM_DENSE + NUM_FIELDS * EMB  # 429
H1, H2 = 256, 128


def setup_inputs(seed: int = 0) -> dict:
    key = jax.random.key(seed)
    ks = jax.random.split(key, 16)
    x_num = jax.random.normal(ks[0], (B, NUM_DENSE), dtype=jnp.float32)
    x_cat = jax.random.randint(ks[1], (B, NUM_FIELDS), 0, VOCAB, dtype=jnp.int64)
    tables = jax.random.normal(ks[2], (NUM_FIELDS, VOCAB, EMB), dtype=jnp.float32)
    W1 = jax.random.normal(ks[3], (H1, IN_DIM), dtype=jnp.float32) * (1.0 / np.sqrt(IN_DIM))
    b1 = jnp.zeros((H1,), dtype=jnp.float32)
    g1 = jnp.ones((H1,), dtype=jnp.float32)
    be1 = jnp.zeros((H1,), dtype=jnp.float32)
    W2 = jax.random.normal(ks[4], (H2, H1), dtype=jnp.float32) * (1.0 / np.sqrt(H1))
    b2 = jnp.zeros((H2,), dtype=jnp.float32)
    g2 = jnp.ones((H2,), dtype=jnp.float32)
    be2 = jnp.zeros((H2,), dtype=jnp.float32)
    W3 = jax.random.normal(ks[5], (1, H2), dtype=jnp.float32) * (1.0 / np.sqrt(H2))
    b3 = jnp.zeros((1,), dtype=jnp.float32)
    return {"x_num": x_num, "tables": tables, "W1": W1, "b1": b1, "g1": g1, "be1": be1,
            "W2": W2, "b2": b2, "g2": g2, "be2": be2, "W3": W3, "b3": b3, "x_cat": x_cat}


def _block(h, W, b, g, beta):
    h = h @ W.T + b
    mu = jnp.mean(h, axis=0)
    var = jnp.mean((h - mu) ** 2, axis=0)  # biased var, as torch BN training
    h = (h - mu) / jnp.sqrt(var + 1e-5) * g + beta
    return jax.nn.gelu(h, approximate=False)


def reference(x_num, tables, W1, b1, g1, be1, W2, b2, g2, be2, W3, b3, x_cat):
    # per-field embedding gather: tables[f, x_cat[:, f]] -> [B, F, EMB]
    embs = tables[jnp.arange(NUM_FIELDS)[None, :], x_cat]
    x = jnp.concatenate([embs.reshape(x_cat.shape[0], -1), x_num], axis=1)
    h = _block(x, W1, b1, g1, be1)
    h = _block(h, W2, b2, g2, be2)
    out = h @ W3.T + b3
    return out.squeeze(1)

if __name__ == "__main__":
    import jax
    _d = setup_inputs()
    print(jax.jit(kernel)(*tuple(_d.values())))

</pallas_src>

<mosaic_0001>
#map = affine_map<(d0, d1) -> (0, 0, 0)>
#map1 = affine_map<(d0, d1) -> (0, 0)>
module attributes {stable_mosaic.version = 14 : i64} {
  func.func @gather_k(%arg0: i32, %arg1: i32, %arg2: memref<26x16x100000xf32, #tpu.memory_space<hbm>>, %arg3: memref<26x16384xi32, #tpu.memory_space<hbm>>, %arg4: memref<416x16384xf32, #tpu.memory_space<hbm>>, %arg5: memref<100000xf32, #tpu.memory_space<vmem>>, %arg6: memref<16384xi32, #tpu.memory_space<vmem>>, %arg7: memref<4096xf32, #tpu.memory_space<vmem>>, %arg8: memref<4096xf32, #tpu.memory_space<vmem>>, %arg9: memref<!tpu.dma_semaphore, #tpu.memory_space<semaphore_mem>>, %arg10: memref<!tpu.dma_semaphore, #tpu.memory_space<semaphore_mem>>, %arg11: memref<!tpu.dma_semaphore, #tpu.memory_space<semaphore_mem>>, %arg12: memref<!tpu.dma_semaphore, #tpu.memory_space<semaphore_mem>>) attributes {dimension_semantics = [#tpu.dimension_semantics<core_parallel>, #tpu.dimension_semantics<subcore_parallel>], iteration_bounds = array<i64: 2, 16>, scalar_prefetch = 0 : i64, scratch_operands = 8 : i64, tpu.core_type = #tpu.core_type<sc_vector_subcore>, window_params = [{transform_indices = #map}, {transform_indices = #map1}, {transform_indices = #map1}]} {
    %mul3A = arith.constant 2 : i32
    %mul3A_0 = arith.muli %arg1, %mul3A : i32
    %add3A = arith.addi %mul3A_0, %arg0 : i32
    %mul3A_1 = arith.constant 13 : i32
    %mul3A_2 = arith.muli %add3A, %mul3A_1 : i32
    %scan3A = arith.constant 0 : i32
    %scan3A_3 = arith.constant 13 : i32
    %scan3A_4 = arith.addi %scan3A, %scan3A_3 : i32
    %scan3A_5 = arith.constant 1 : i32
    scf.for %scan3A_20 = %scan3A to %scan3A_4 step %scan3A_5  : i32 {
      %mul3A_21 = arith.constant 1 : i32
      %mul3A_22 = arith.muli %scan3A_20, %mul3A_21 : i32
      %add3A_23 = arith.constant 0 : i32
      %add3A_24 = arith.addi %add3A_23, %mul3A_22 : i32
      %add3A_25 = arith.addi %mul3A_2, %add3A_24 : i32
      %jit3A = arith.constant 16 : i32
      %div3A = arith.divsi %add3A_25, %jit3A : i32
      %sign3A = arith.constant 0 : i32
      %sign3A_26 = arith.cmpi sgt, %add3A_25, %sign3A : i32
      %sign3A_27 = arith.extui %sign3A_26 : i1 to i32
      %sign3A_28 = arith.constant 0 : i32
      %sign3A_29 = arith.cmpi slt, %add3A_25, %sign3A_28 : i32
      %sign3A_30 = arith.extui %sign3A_29 : i1 to i32
      %sign3A_31 = arith.subi %sign3A_27, %sign3A_30 : i32
      %sign3A_32 = arith.constant 0 : i32
      %sign3A_33 = arith.cmpi sgt, %jit3A, %sign3A_32 : i32
      %sign3A_34 = arith.extui %sign3A_33 : i1 to i32
      %sign3A_35 = arith.constant 0 : i32
      %sign3A_36 = arith.cmpi slt, %jit3A, %sign3A_35 : i32
      %sign3A_37 = arith.extui %sign3A_36 : i1 to i32
      %sign3A_38 = arith.subi %sign3A_34, %sign3A_37 : i32
      %ne3A = arith.cmpi ne, %sign3A_31, %sign3A_38 : i32
      %rem3A = arith.remsi %add3A_25, %jit3A : i32
      %ne3A_39 = arith.constant 0 : i32
      %ne3A_40 = arith.cmpi ne, %rem3A, %ne3A_39 : i32
      %and3A = arith.andi %ne3A, %ne3A_40 : i1
      %sub3A = arith.constant 1 : i32
      %sub3A_41 = arith.subi %div3A, %sub3A : i32
      %select_n3A = arith.select %and3A, %sub3A_41, %div3A : i32
      %jit3A_42 = arith.constant 16 : i32
      %eq3A = arith.constant 0 : i32
      %eq3A_43 = arith.cmpi eq, %jit3A_42, %eq3A : i32
      %jit3A_44 = arith.constant 1 : i32
      %select_n3A_45 = arith.select %eq3A_43, %jit3A_44, %jit3A_42 : i32
      %rem3A_46 = arith.remsi %add3A_25, %select_n3A_45 : i32
      %ne3A_47 = arith.constant 0 : i32
      %ne3A_48 = arith.cmpi ne, %rem3A_46, %ne3A_47 : i32
      %lt3A = arith.constant 0 : i32
      %lt3A_49 = arith.cmpi slt, %rem3A_46, %lt3A : i32
      %lt3A_50 = arith.constant 0 : i32
      %lt3A_51 = arith.cmpi slt, %select_n3A_45, %lt3A_50 : i32
      %ne3A_52 = arith.xori %lt3A_49, %lt3A_51 : i1
      %and3A_53 = arith.andi %ne3A_52, %ne3A_48 : i1
      %add3A_54 = arith.addi %rem3A_46, %select_n3A_45 : i32
      %select_n3A_55 = arith.select %and3A_53, %add3A_54, %rem3A_46 : i32
      %dma_start3A = arith.constant 0 : i32
      %dma_start3A_56 = tpu.memref_slice %arg2[%select_n3A, %select_n3A_55, %dma_start3A] : memref<26x16x100000xf32, #tpu.memory_space<hbm>> -> memref<1x1x100000xf32, #tpu.memory_space<hbm>>
      %dma_start3A_57 = tpu.memref_squeeze %dma_start3A_56 : memref<1x1x100000xf32, #tpu.memory_space<hbm>> -> memref<100000xf32, #tpu.memory_space<hbm>>
      %dma_start3A_58 = arith.constant 0 : i32
      %dma_start3A_59 = tpu.memref_slice %arg2[%select_n3A, %select_n3A_55, %dma_start3A_58] : memref<26x16x100000xf32, #tpu.memory_space<hbm>> -> memref<1x1x100000xf32, #tpu.memory_space<hbm>>
      %dma_start3A_60 = tpu.memref_squeeze %dma_start3A_59 : memref<1x1x100000xf32, #tpu.memory_space<hbm>> -> memref<100000xf32, #tpu.memory_space<hbm>>
      tpu.enqueue_dma source(%dma_start3A_60 : memref<100000xf32, #tpu.memory_space<hbm>>) target(%arg5 : memref<100000xf32, #tpu.memory_space<vmem>>) target_semaphore(%arg9 : memref<!tpu.dma_semaphore, #tpu.memory_space<semaphore_mem>>)
      %eq3A_61 = arith.constant 0 : i32
      %eq3A_62 = arith.cmpi eq, %add3A_24, %eq3A_61 : i32
      %eq3A_63 = arith.constant 0 : i32
      %eq3A_64 = arith.cmpi eq, %select_n3A_55, %eq3A_63 : i32
      %or3A = arith.ori %eq3A_62, %eq3A_64 : i1
      %convert_element_type3A = arith.extui %or3A : i1 to i32
      %cond3A = arith.constant 0 : i32
      %cond3A_65 = arith.cmpi ne, %convert_element_type3A, %cond3A : i32
      scf.if %cond3A_65 {
        %dma_start3A_84 = arith.constant 0 : i32
        %dma_start3A_85 = tpu.memref_slice %arg3[%select_n3A, %dma_start3A_84] : memref<26x16384xi32, #tpu.memory_space<hbm>> -> memref<1x16384xi32, #tpu.memory_space<hbm>>
        %dma_start3A_86 = tpu.memref_squeeze %dma_start3A_85 : memref<1x16384xi32, #tpu.memory_space<hbm>> -> memref<16384xi32, #tpu.memory_space<hbm>>
        %dma_start3A_87 = arith.constant 0 : i32
        %dma_start3A_88 = tpu.memref_slice %arg3[%select_n3A, %dma_start3A_87] : memref<26x16384xi32, #tpu.memory_space<hbm>> -> memref<1x16384xi32, #tpu.memory_space<hbm>>
        %dma_start3A_89 = tpu.memref_squeeze %dma_start3A_88 : memref<1x16384xi32, #tpu.memory_space<hbm>> -> memref<16384xi32, #tpu.memory_space<hbm>>
        tpu.enqueue_dma source(%dma_start3A_89 : memref<16384xi32, #tpu.memory_space<hbm>>) target(%arg6 : memref<16384xi32, #tpu.memory_space<vmem>>) target_semaphore(%arg10 : memref<!tpu.dma_semaphore, #tpu.memory_space<semaphore_mem>>)
      } else {
      }
      %gt3A = arith.constant 0 : i32
      %gt3A_66 = arith.cmpi sgt, %add3A_24, %gt3A : i32
      %convert_element_type3A_67 = arith.extui %gt3A_66 : i1 to i32
      %cond3A_68 = arith.constant 0 : i32
      %cond3A_69 = arith.cmpi ne, %convert_element_type3A_67, %cond3A_68 : i32
      scf.if %cond3A_69 {
        %dma_wait3A_84 = arith.constant 0 : i32
        %dma_wait3A_85 = tpu.memref_slice %arg4[%add3A_25, %dma_wait3A_84] : memref<416x16384xf32, #tpu.memory_space<hbm>> -> memref<1x4096xf32, #tpu.memory_space<hbm>>
        %dma_wait3A_86 = tpu.memref_squeeze %dma_wait3A_85 : memref<1x4096xf32, #tpu.memory_space<hbm>> -> memref<4096xf32, #tpu.memory_space<hbm>>
        %dma_wait3A_87 = arith.constant 0 : i32
        %dma_wait3A_88 = tpu.memref_slice %arg4[%add3A_25, %dma_wait3A_87] : memref<416x16384xf32, #tpu.memory_space<hbm>> -> memref<1x4096xf32, #tpu.memory_space<hbm>>
        %dma_wait3A_89 = tpu.memref_squeeze %dma_wait3A_88 : memref<1x4096xf32, #tpu.memory_space<hbm>> -> memref<4096xf32, #tpu.memory_space<hbm>>
        tpu.wait_dma2 semaphore(%arg11 : memref<!tpu.dma_semaphore, #tpu.memory_space<semaphore_mem>>) src(%arg7 : memref<4096xf32, #tpu.memory_space<vmem>>) dst(%dma_wait3A_89 : memref<4096xf32, #tpu.memory_space<hbm>>)
        %dma_wait3A_90 = arith.constant 0 : i32
        %dma_wait3A_91 = tpu.memref_slice %arg4[%add3A_25, %dma_wait3A_90] : memref<416x16384xf32, #tpu.memory_space<hbm>> -> memref<1x4096xf32, #tpu.memory_space<hbm>>
        %dma_wait3A_92 = tpu.memref_squeeze %dma_wait3A_91 : memref<1x4096xf32, #tpu.memory_space<hbm>> -> memref<4096xf32, #tpu.memory_space<hbm>>
        %dma_wait3A_93 = arith.constant 0 : i32
        %dma_wait3A_94 = tpu.memref_slice %arg4[%add3A_25, %dma_wait3A_93] : memref<416x16384xf32, #tpu.memory_space<hbm>> -> memref<1x4096xf32, #tpu.memory_space<hbm>>
        %dma_wait3A_95 = tpu.memref_squeeze %dma_wait3A_94 : memref<1x4096xf32, #tpu.memory_space<hbm>> -> memref<4096xf32, #tpu.memory_space<hbm>>
        tpu.wait_dma2 semaphore(%arg12 : memref<!tpu.dma_semaphore, #tpu.memory_space<semaphore_mem>>) src(%arg8 : memref<4096xf32, #tpu.memory_space<vmem>>) dst(%dma_wait3A_95 : memref<4096xf32, #tpu.memory_space<hbm>>)
      } else {
      }
      %convert_element_type3A_70 = arith.extui %or3A : i1 to i32
      %cond3A_71 = arith.constant 0 : i32
      %cond3A_72 = arith.cmpi ne, %convert_element_type3A_70, %cond3A_71 : i32
      scf.if %cond3A_72 {
        %dma_wait3A_84 = arith.constant 0 : i32
        %dma_wait3A_85 = tpu.memref_slice %arg3[%select_n3A, %dma_wait3A_84] : memref<26x16384xi32, #tpu.memory_space<hbm>> -> memref<1x16384xi32, #tpu.memory_space<hbm>>
        %dma_wait3A_86 = tpu.memref_squeeze %dma_wait3A_85 : memref<1x16384xi32, #tpu.memory_space<hbm>> -> memref<16384xi32, #tpu.memory_space<hbm>>
        %dma_wait3A_87 = arith.constant 0 : i32
        %dma_wait3A_88 = tpu.memref_slice %arg3[%select_n3A, %dma_wait3A_87] : memref<26x16384xi32, #tpu.memory_space<hbm>> -> memref<1x16384xi32, #tpu.memory_space<hbm>>
        %dma_wait3A_89 = tpu.memref_squeeze %dma_wait3A_88 : memref<1x16384xi32, #tpu.memory_space<hbm>> -> memref<16384xi32, #tpu.memory_space<hbm>>
        tpu.wait_dma2 semaphore(%arg10 : memref<!tpu.dma_semaphore, #tpu.memory_space<semaphore_mem>>) src(%dma_wait3A_89 : memref<16384xi32, #tpu.memory_space<hbm>>) dst(%arg6 : memref<16384xi32, #tpu.memory_space<vmem>>)
      } else {
      }
      %dma_wait3A_73 = arith.constant 0 : i32
      %dma_wait3A_74 = tpu.memref_slice %arg2[%select_n3A, %select_n3A_55, %dma_wait3A_73] : memref<26x16x100000xf32, #tpu.memory_space<hbm>> -> memref<1x1x100000xf32, #tpu.memory_space<hbm>>
      %dma_wait3A_75 = tpu.memref_squeeze %dma_wait3A_74 : memref<1x1x100000xf32, #tpu.memory_space<hbm>> -> memref<100000xf32, #tpu.memory_space<hbm>>
      %dma_wait3A_76 = arith.constant 0 : i32
      %dma_wait3A_77 = tpu.memref_slice %arg2[%select_n3A, %select_n3A_55, %dma_wait3A_76] : memref<26x16x100000xf32, #tpu.memory_space<hbm>> -> memref<1x1x100000xf32, #tpu.memory_space<hbm>>
      %dma_wait3A_78 = tpu.memref_squeeze %dma_wait3A_77 : memref<1x1x100000xf32, #tpu.memory_space<hbm>> -> memref<100000xf32, #tpu.memory_space<hbm>>
      tpu.wait_dma2 semaphore(%arg9 : memref<!tpu.dma_semaphore, #tpu.memory_space<semaphore_mem>>) src(%dma_wait3A_78 : memref<100000xf32, #tpu.memory_space<hbm>>) dst(%arg5 : memref<100000xf32, #tpu.memory_space<vmem>>)
      %scan3A_79 = arith.constant 0 : i32
      %scan3A_80 = arith.constant 2 : i32
      %scan3A_81 = arith.addi %scan3A_79, %scan3A_80 : i32
      %scan3A_82 = arith.constant 1 : i32
      scf.for %scan3A_84 = %scan3A_79 to %scan3A_81 step %scan3A_82  : i32 {
        %mul3A_85 = arith.constant 2 : i32
        %mul3A_86 = arith.muli %scan3A_84, %mul3A_85 : i32
        %add3A_87 = arith.constant 0 : i32
        %add3A_88 = arith.addi %add3A_87, %mul3A_86 : i32
        %add3A_89 = arith.constant 0 : i32
        %add3A_90 = arith.addi %add3A_88, %add3A_89 : i32
        %ge3A = arith.constant 2 : i32
        %ge3A_91 = arith.cmpi sge, %add3A_90, %ge3A : i32
        %convert_element_type3A_92 = arith.extui %ge3A_91 : i1 to i32
        %cond3A_93 = arith.constant 0 : i32
        %cond3A_94 = arith.cmpi ne, %convert_element_type3A_92, %cond3A_93 : i32
        scf.if %cond3A_94 {
          %dma_wait3A_123 = arith.constant 0 : i32
          %dma_wait3A_124 = tpu.memref_slice %arg4[%add3A_25, %dma_wait3A_123] : memref<416x16384xf32, #tpu.memory_space<hbm>> -> memref<1x4096xf32, #tpu.memory_space<hbm>>
          %dma_wait3A_125 = tpu.memref_squeeze %dma_wait3A_124 : memref<1x4096xf32, #tpu.memory_space<hbm>> -> memref<4096xf32, #tpu.memory_space<hbm>>
          %dma_wait3A_126 = arith.constant 0 : i32
          %dma_wait3A_127 = tpu.memref_slice %arg4[%add3A_25, %dma_wait3A_126] : memref<416x16384xf32, #tpu.memory_space<hbm>> -> memref<1x4096xf32, #tpu.memory_space<hbm>>
          %dma_wait3A_128 = tpu.memref_squeeze %dma_wait3A_127 : memref<1x4096xf32, #tpu.memory_space<hbm>> -> memref<4096xf32, #tpu.memory_space<hbm>>
          tpu.wait_dma2 semaphore(%arg11 : memref<!tpu.dma_semaphore, #tpu.memory_space<semaphore_mem>>) src(%arg7 : memref<4096xf32, #tpu.memory_space<vmem>>) dst(%dma_wait3A_128 : memref<4096xf32, #tpu.memory_space<hbm>>)
        } else {
        }
        %mul3A_95 = arith.constant 4096 : i32
        %mul3A_96 = arith.muli %add3A_90, %mul3A_95 : i32
        %parallel_loop3A = arith.constant 0 : i32
        %parallel_loop3A_97 = arith.constant 256 : i32
        %parallel_loop3A_98 = arith.constant 1 : i32
        scf.for %parallel_loop3A_123 = %parallel_loop3A to %parallel_loop3A_97 step %parallel_loop3A_98  : i32 {
          %parallel_loop3A_124 = arith.constant 16 : i32
          %parallel_loop3A_125 = arith.muli %parallel_loop3A_123, %parallel_loop3A_124 : i32
          %parallel_loop3A_126 = arith.addi %mul3A_96, %parallel_loop3A_125 : i32
          %parallel_loop3A_127 = arith.index_cast %parallel_loop3A_126 : i32 to index
          %parallel_loop3A_128 = tpu.vector_load %arg6[%parallel_loop3A_127] {strides = array<i32>} : memref<16384xi32, #tpu.memory_space<vmem>>, vector<16xi32>,
          %parallel_loop3A_129 = tpu.vector_load_idx %arg5[%parallel_loop3A_128] : memref<100000xf32, #tpu.memory_space<vmem>>[vector<16xi32>], vector<16xf32>,
          %parallel_loop3A_130 = arith.constant 16 : i32
          %parallel_loop3A_131 = arith.muli %parallel_loop3A_123, %parallel_loop3A_130 : i32
          %parallel_loop3A_132 = arith.index_cast %parallel_loop3A_131 : i32 to index
          %parallel_loop3A_133 = tpu.vector_load %arg7[%parallel_loop3A_132] {strides = array<i32>} : memref<4096xf32, #tpu.memory_space<vmem>>, vector<16xf32>,
          tpu.vector_store %arg7[%parallel_loop3A_132], %parallel_loop3A_129 {strides = array<i32>} : memref<4096xf32, #tpu.memory_space<vmem>>, vector<16xf32>,
        } {sc.loop_unroll_factor = 8 : i64, sc.parallel_access}
        %mul3A_99 = arith.constant 4096 : i32
        %mul3A_100 = arith.muli %add3A_90, %mul3A_99 : i32
        %dma_start3A_101 = tpu.memref_slice %arg4[%add3A_25, %mul3A_100] : memref<416x16384xf32, #tpu.memory_space<hbm>> -> memref<1x4096xf32, #tpu.memory_space<hbm>>
        %dma_start3A_102 = tpu.memref_squeeze %dma_start3A_101 : memref<1x4096xf32, #tpu.memory_space<hbm>> -> memref<4096xf32, #tpu.memory_space<hbm>>
        %dma_start3A_103 = tpu.memref_slice %arg4[%add3A_25, %mul3A_100] : memref<416x16384xf32, #tpu.memory_space<hbm>> -> memref<1x4096xf32, #tpu.memory_space<hbm>>
        %dma_start3A_104 = tpu.memref_squeeze %dma_start3A_103 : memref<1x4096xf32, #tpu.memory_space<hbm>> -> memref<4096xf32, #tpu.memory_space<hbm>>
        tpu.enqueue_dma source(%arg7 : memref<4096xf32, #tpu.memory_space<vmem>>) target(%dma_start3A_104 : memref<4096xf32, #tpu.memory_space<hbm>>) target_semaphore(%arg11 : memref<!tpu.dma_semaphore, #tpu.memory_space<semaphore_mem>>)
        %add3A_105 = arith.constant 1 : i32
        %add3A_106 = arith.addi %add3A_88, %add3A_105 : i32
        %ge3A_107 = arith.constant 2 : i32
        %ge3A_108 = arith.cmpi sge, %add3A_106, %ge3A_107 : i32
        %convert_element_type3A_109 = arith.extui %ge3A_108 : i1 to i32
        %cond3A_110 = arith.constant 0 : i32
        %cond3A_111 = arith.cmpi ne, %convert_element_type3A_109, %cond3A_110 : i32
        scf.if %cond3A_111 {
          %dma_wait3A_123 = arith.constant 0 : i32
          %dma_wait3A_124 = tpu.memref_slice %arg4[%add3A_25, %dma_wait3A_123] : memref<416x16384xf32, #tpu.memory_space<hbm>> -> memref<1x4096xf32, #tpu.memory_space<hbm>>
          %dma_wait3A_125 = tpu.memref_squeeze %dma_wait3A_124 : memref<1x4096xf32, #tpu.memory_space<hbm>> -> memref<4096xf32, #tpu.memory_space<hbm>>
          %dma_wait3A_126 = arith.constant 0 : i32
          %dma_wait3A_127 = tpu.memref_slice %arg4[%add3A_25, %dma_wait3A_126] : memref<416x16384xf32, #tpu.memory_space<hbm>> -> memref<1x4096xf32, #tpu.memory_space<hbm>>
          %dma_wait3A_128 = tpu.memref_squeeze %dma_wait3A_127 : memref<1x4096xf32, #tpu.memory_space<hbm>> -> memref<4096xf32, #tpu.memory_space<hbm>>
          tpu.wait_dma2 semaphore(%arg12 : memref<!tpu.dma_semaphore, #tpu.memory_space<semaphore_mem>>) src(%arg8 : memref<4096xf32, #tpu.memory_space<vmem>>) dst(%dma_wait3A_128 : memref<4096xf32, #tpu.memory_space<hbm>>)
        } else {
        }
        %mul3A_112 = arith.constant 4096 : i32
        %mul3A_113 = arith.muli %add3A_106, %mul3A_112 : i32
        %parallel_loop3A_114 = arith.constant 0 : i32
        %parallel_loop3A_115 = arith.constant 256 : i32
        %parallel_loop3A_116 = arith.constant 1 : i32
        scf.for %parallel_loop3A_123 = %parallel_loop3A_114 to %parallel_loop3A_115 step %parallel_loop3A_116  : i32 {
          %parallel_loop3A_124 = arith.constant 16 : i32
          %parallel_loop3A_125 = arith.muli %parallel_loop3A_123, %parallel_loop3A_124 : i32
          %parallel_loop3A_126 = arith.addi %mul3A_113, %parallel_loop3A_125 : i32
          %parallel_loop3A_127 = arith.index_cast %parallel_loop3A_126 : i32 to index
          %parallel_loop3A_128 = tpu.vector_load %arg6[%parallel_loop3A_127] {strides = array<i32>} : memref<16384xi32, #tpu.memory_space<vmem>>, vector<16xi32>,
          %parallel_loop3A_129 = tpu.vector_load_idx %arg5[%parallel_loop3A_128] : memref<100000xf32, #tpu.memory_space<vmem>>[vector<16xi32>], vector<16xf32>,
          %parallel_loop3A_130 = arith.constant 16 : i32
          %parallel_loop3A_131 = arith.muli %parallel_loop3A_123, %parallel_loop3A_130 : i32
          %parallel_loop3A_132 = arith.index_cast %parallel_loop3A_131 : i32 to index
          %parallel_loop3A_133 = tpu.vector_load %arg8[%parallel_loop3A_132] {strides = array<i32>} : memref<4096xf32, #tpu.memory_space<vmem>>, vector<16xf32>,
          tpu.vector_store %arg8[%parallel_loop3A_132], %parallel_loop3A_129 {strides = array<i32>} : memref<4096xf32, #tpu.memory_space<vmem>>, vector<16xf32>,
        } {sc.loop_unroll_factor = 8 : i64, sc.parallel_access}
        %mul3A_117 = arith.constant 4096 : i32
        %mul3A_118 = arith.muli %add3A_106, %mul3A_117 : i32
        %dma_start3A_119 = tpu.memref_slice %arg4[%add3A_25, %mul3A_118] : memref<416x16384xf32, #tpu.memory_space<hbm>> -> memref<1x4096xf32, #tpu.memory_space<hbm>>
        %dma_start3A_120 = tpu.memref_squeeze %dma_start3A_119 : memref<1x4096xf32, #tpu.memory_space<hbm>> -> memref<4096xf32, #tpu.memory_space<hbm>>
        %dma_start3A_121 = tpu.memref_slice %arg4[%add3A_25, %mul3A_118] : memref<416x16384xf32, #tpu.memory_space<hbm>> -> memref<1x4096xf32, #tpu.memory_space<hbm>>
        %dma_start3A_122 = tpu.memref_squeeze %dma_start3A_121 : memref<1x4096xf32, #tpu.memory_space<hbm>> -> memref<4096xf32, #tpu.memory_space<hbm>>
        tpu.enqueue_dma source(%arg8 : memref<4096xf32, #tpu.memory_space<vmem>>) target(%dma_start3A_122 : memref<4096xf32, #tpu.memory_space<hbm>>) target_semaphore(%arg12 : memref<!tpu.dma_semaphore, #tpu.memory_space<semaphore_mem>>)
      }
      %scan3A_83 = arith.constant 2 : i32
    }
    %scan3A_6 = arith.constant 13 : i32
    %dma_wait3A = arith.constant 0 : i32
    %dma_wait3A_7 = arith.constant 0 : i32
    %dma_wait3A_8 = tpu.memref_slice %arg4[%dma_wait3A, %dma_wait3A_7] : memref<416x16384xf32, #tpu.memory_space<hbm>> -> memref<1x4096xf32, #tpu.memory_space<hbm>>
    %dma_wait3A_9 = tpu.memref_squeeze %dma_wait3A_8 : memref<1x4096xf32, #tpu.memory_space<hbm>> -> memref<4096xf32, #tpu.memory_space<hbm>>
    %dma_wait3A_10 = arith.constant 0 : i32
    %dma_wait3A_11 = tpu.memref_slice %arg4[%dma_wait3A, %dma_wait3A_10] : memref<416x16384xf32, #tpu.memory_space<hbm>> -> memref<1x4096xf32, #tpu.memory_space<hbm>>
    %dma_wait3A_12 = tpu.memref_squeeze %dma_wait3A_11 : memref<1x4096xf32, #tpu.memory_space<hbm>> -> memref<4096xf32, #tpu.memory_space<hbm>>
    tpu.wait_dma2 semaphore(%arg11 : memref<!tpu.dma_semaphore, #tpu.memory_space<semaphore_mem>>) src(%arg7 : memref<4096xf32, #tpu.memory_space<vmem>>) dst(%dma_wait3A_12 : memref<4096xf32, #tpu.memory_space<hbm>>)
    %dma_wait3A_13 = arith.constant 0 : i32
    %dma_wait3A_14 = arith.constant 0 : i32
    %dma_wait3A_15 = tpu.memref_slice %arg4[%dma_wait3A_13, %dma_wait3A_14] : memref<416x16384xf32, #tpu.memory_space<hbm>> -> memref<1x4096xf32, #tpu.memory_space<hbm>>
    %dma_wait3A_16 = tpu.memref_squeeze %dma_wait3A_15 : memref<1x4096xf32, #tpu.memory_space<hbm>> -> memref<4096xf32, #tpu.memory_space<hbm>>
    %dma_wait3A_17 = arith.constant 0 : i32
    %dma_wait3A_18 = tpu.memref_slice %arg4[%dma_wait3A_13, %dma_wait3A_17] : memref<416x16384xf32, #tpu.memory_space<hbm>> -> memref<1x4096xf32, #tpu.memory_space<hbm>>
    %dma_wait3A_19 = tpu.memref_squeeze %dma_wait3A_18 : memref<1x4096xf32, #tpu.memory_space<hbm>> -> memref<4096xf32, #tpu.memory_space<hbm>>
    tpu.wait_dma2 semaphore(%arg12 : memref<!tpu.dma_semaphore, #tpu.memory_space<semaphore_mem>>) src(%arg8 : memref<4096xf32, #tpu.memory_space<vmem>>) dst(%dma_wait3A_19 : memref<4096xf32, #tpu.memory_space<hbm>>)
    return
  }
}

module attributes {stable_mosaic.version = 14 : i64} {
  func.func @_mlp2_body(%arg0: i32, %arg1: memref<256x2048xbf16, #tpu.memory_space<vmem>>, %arg2: memref<256x2xf32, #tpu.memory_space<vmem>>, %arg3: memref<256x1xf32, #tpu.memory_space<vmem>>, %arg4: memref<256x1xf32, #tpu.memory_space<vmem>>, %arg5: memref<128x256xf32, #tpu.memory_space<vmem>>, %arg6: memref<128x1xf32, #tpu.memory_space<vmem>>, %arg7: memref<128x2048xbf16, #tpu.memory_space<vmem>>, %arg8: memref<128x2xf32, #tpu.memory_space<vmem>>, %arg9: memref<128x2xf32, #tpu.memory_space<vmem>>) attributes {dimension_semantics = [#tpu.dimension_semantics<arbitrary>], iteration_bounds = array<i64: 8>, scalar_prefetch = 0 : i64, scratch_operands = 1 : i64, tpu.core_type = #tpu.core_type<tc>, window_params = [{transform_indices = @transform_0, window_bounds = array<i64: 256, 2048>}, {pipeline_mode = #tpu.pipeline_mode<synchronous>, transform_indices = @transform_1, window_bounds = array<i64: 256, 2>}, {pipeline_mode = #tpu.pipeline_mode<synchronous>, transform_indices = @transform_2, window_bounds = array<i64: 256, 1>}, {pipeline_mode = #tpu.pipeline_mode<synchronous>, transform_indices = @transform_3, window_bounds = array<i64: 256, 1>}, {pipeline_mode = #tpu.pipeline_mode<synchronous>, transform_indices = @transform_4, window_bounds = array<i64: 128, 256>}, {pipeline_mode = #tpu.pipeline_mode<synchronous>, transform_indices = @transform_5, window_bounds = array<i64: 128, 1>}, {transform_indices = @transform_6, window_bounds = array<i64: 128, 2048>}, {pipeline_mode = #tpu.pipeline_mode<synchronous>, transform_indices = @transform_7, window_bounds = array<i64: 128, 2>}]} {
    %eq3A = arith.constant 0 : i32
    %eq3A_0 = arith.cmpi eq, %arg0, %eq3A : i32
    %convert_element_type3A = arith.extui %eq3A_0 : i1 to i32
    %cond3A = arith.constant 0 : i32
    %cond3A_1 = arith.cmpi ne, %convert_element_type3A, %cond3A : i32
    scf.if %cond3A_1 {
      %broadcast_in_dim3A_71 = arith.constant 0.000000e+00 : f32
      %broadcast_in_dim3A_72 = vector.broadcast %broadcast_in_dim3A_71 : f32 to vector<128x2xf32>
      %swap3A_73 = arith.constant 0 : index
      %swap3A_74 = arith.constant 0 : index
      %swap3A_75 = vector.load %arg9[%swap3A_73, %swap3A_74] : memref<128x2xf32, #tpu.memory_space<vmem>>, vector<128x2xf32>
      tpu.vector_store %arg9[%swap3A_73, %swap3A_74], %broadcast_in_dim3A_72 {strides = array<i32>} : memref<128x2xf32, #tpu.memory_space<vmem>>, vector<128x2xf32>,
    } else {
    }
    %get3A = arith.constant 0 : index
    %get3A_2 = arith.constant 0 : index
    %get3A_3 = vector.load %arg2[%get3A, %get3A_2] : memref<256x2xf32, #tpu.memory_space<vmem>>, vector<256x1xf32>
    %mul3A = arith.constant 6.10351563E-5 : f32
    %mul3A_4 = vector.broadcast %mul3A : f32 to vector<256x1xf32>
    %mul3A_5 = arith.mulf %get3A_3, %mul3A_4 : vector<256x1xf32>
    %get3A_6 = arith.constant 0 : index
    %get3A_7 = arith.constant 1 : index
    %get3A_8 = vector.load %arg2[%get3A_6, %get3A_7] : memref<256x2xf32, #tpu.memory_space<vmem>>, vector<256x1xf32>
    %mul3A_9 = arith.constant 6.10351563E-5 : f32
    %mul3A_10 = vector.broadcast %mul3A_9 : f32 to vector<256x1xf32>
    %mul3A_11 = arith.mulf %get3A_8, %mul3A_10 : vector<256x1xf32>
    %mul3A_12 = arith.mulf %mul3A_5, %mul3A_5 : vector<256x1xf32>
    %sub3A = arith.subf %mul3A_11, %mul3A_12 : vector<256x1xf32>
    %add3A = arith.constant 9.99999974E-6 : f32
    %add3A_13 = vector.broadcast %add3A : f32 to vector<256x1xf32>
    %add3A_14 = arith.addf %sub3A, %add3A_13 : vector<256x1xf32>
    %rsqrt3A = math.rsqrt %add3A_14 : vector<256x1xf32>
    %get3A_15 = arith.constant 0 : index
    %get3A_16 = arith.constant 0 : index
    %get3A_17 = vector.load %arg1[%get3A_15, %get3A_16] : memref<256x2048xbf16, #tpu.memory_space<vmem>>, vector<256x2048xbf16>
    %convert_element_type3A_18 = arith.extf %get3A_17 : vector<256x2048xbf16> to vector<256x2048xf32>
    %sub3A_19 = vector.broadcast %mul3A_5 : vector<256x1xf32> to vector<256x2048xf32>
    %sub3A_20 = arith.subf %convert_element_type3A_18, %sub3A_19 : vector<256x2048xf32>
    %get3A_21 = arith.constant 0 : index
    %get3A_22 = arith.constant 0 : index
    %get3A_23 = vector.load %arg3[%get3A_21, %get3A_22] : memref<256x1xf32, #tpu.memory_space<vmem>>, vector<256x1xf32>
    %mul3A_24 = arith.mulf %rsqrt3A, %get3A_23 : vector<256x1xf32>
    %mul3A_25 = vector.broadcast %mul3A_24 : vector<256x1xf32> to vector<256x2048xf32>
    %mul3A_26 = arith.mulf %sub3A_20, %mul3A_25 : vector<256x2048xf32>
    %get3A_27 = arith.constant 0 : index
    %get3A_28 = arith.constant 0 : index
    %get3A_29 = vector.load %arg4[%get3A_27, %get3A_28] : memref<256x1xf32, #tpu.memory_space<vmem>>, vector<256x1xf32>
    %add3A_30 = vector.broadcast %get3A_29 : vector<256x1xf32> to vector<256x2048xf32>
    %add3A_31 = arith.addf %mul3A_26, %add3A_30 : vector<256x2048xf32>
    %mul3A_32 = arith.constant 5.000000e-01 : f32
    %mul3A_33 = vector.broadcast %mul3A_32 : f32 to vector<256x2048xf32>
    %mul3A_34 = arith.mulf %mul3A_33, %add3A_31 : vector<256x2048xf32>
    %mul3A_35 = arith.constant 0.707106769 : f32
    %mul3A_36 = vector.broadcast %mul3A_35 : f32 to vector<256x2048xf32>
    %mul3A_37 = arith.mulf %add3A_31, %mul3A_36 : vector<256x2048xf32>
    %erf3A = math.erf %mul3A_37 : vector<256x2048xf32>
    %add3A_38 = arith.constant 1.000000e+00 : f32
    %add3A_39 = vector.broadcast %add3A_38 : f32 to vector<256x2048xf32>
    %add3A_40 = arith.addf %add3A_39, %erf3A : vector<256x2048xf32>
    %mul3A_41 = arith.mulf %mul3A_34, %add3A_40 : vector<256x2048xf32>
    %get3A_42 = arith.constant 0 : index
    %get3A_43 = arith.constant 0 : index
    %get3A_44 = vector.load %arg5[%get3A_42, %get3A_43] : memref<128x256xf32, #tpu.memory_space<vmem>>, vector<128x256xf32>
    %dot_general3A = arith.constant dense<0.000000e+00> : vector<128x2048xf32>
    %dot_general3A_45 = tpu.matmul %get3A_44, %mul3A_41, %dot_general3A {dimension_numbers = #tpu.dot_dimension_numbers<[1], [0], [0], [1], [0, 0, 1, 1], [], []>, transpose_lhs_hint = false} : vector<128x256xf32>, vector<256x2048xf32>, vector<128x2048xf32> -> vector<128x2048xf32>
    %get3A_46 = arith.constant 0 : index
    %get3A_47 = arith.constant 0 : index
    %get3A_48 = vector.load %arg6[%get3A_46, %get3A_47] : memref<128x1xf32, #tpu.memory_space<vmem>>, vector<128x1xf32>
    %add3A_49 = vector.broadcast %get3A_48 : vector<128x1xf32> to vector<128x2048xf32>
    %add3A_50 = arith.addf %dot_general3A_45, %add3A_49 : vector<128x2048xf32>
    %convert_element_type3A_51 = arith.truncf %add3A_50 : vector<128x2048xf32> to vector<128x2048xbf16>
    %swap3A = arith.constant 0 : index
    %swap3A_52 = arith.constant 0 : index
    %swap3A_53 = vector.load %arg7[%swap3A, %swap3A_52] : memref<128x2048xbf16, #tpu.memory_space<vmem>>, vector<128x2048xbf16>
    tpu.vector_store %arg7[%swap3A, %swap3A_52], %convert_element_type3A_51 {strides = array<i32>} : memref<128x2048xbf16, #tpu.memory_space<vmem>>, vector<128x2048xbf16>,
    %get3A_54 = arith.constant 0 : index
    %get3A_55 = arith.constant 0 : index
    %get3A_56 = vector.load %arg9[%get3A_54, %get3A_55] : memref<128x2xf32, #tpu.memory_space<vmem>>, vector<128x2xf32>
    %reduce_sum3A = arith.constant dense<0.000000e+00> : vector<128xf32>
    %reduce_sum3A_57 = vector.multi_reduction <add>, %add3A_50, %reduce_sum3A [1] : vector<128x2048xf32> to vector<128xf32>
    %broadcast_in_dim3A = vector.shape_cast %reduce_sum3A_57 : vector<128xf32> to vector<128x1xf32>
    %mul3A_58 = arith.mulf %add3A_50, %add3A_50 : vector<128x2048xf32>
    %reduce_sum3A_59 = arith.constant dense<0.000000e+00> : vector<128xf32>
    %reduce_sum3A_60 = vector.multi_reduction <add>, %mul3A_58, %reduce_sum3A_59 [1] : vector<128x2048xf32> to vector<128xf32>
    %broadcast_in_dim3A_61 = vector.shape_cast %reduce_sum3A_60 : vector<128xf32> to vector<128x1xf32>
    %concatenate3A = tpu.concatenate %broadcast_in_dim3A, %broadcast_in_dim3A_61 in 1 : vector<128x1xf32>, vector<128x1xf32> -> vector<128x2xf32>
    %add3A_62 = arith.addf %get3A_56, %concatenate3A : vector<128x2xf32>
    %swap3A_63 = arith.constant 0 : index
    %swap3A_64 = arith.constant 0 : index
    %swap3A_65 = vector.load %arg9[%swap3A_63, %swap3A_64] : memref<128x2xf32, #tpu.memory_space<vmem>>, vector<128x2xf32>
    tpu.vector_store %arg9[%swap3A_63, %swap3A_64], %add3A_62 {strides = array<i32>} : memref<128x2xf32, #tpu.memory_space<vmem>>, vector<128x2xf32>,
    %eq3A_66 = arith.constant 7 : i32
    %eq3A_67 = arith.cmpi eq, %arg0, %eq3A_66 : i32
    %convert_element_type3A_68 = arith.extui %eq3A_67 : i1 to i32
    %cond3A_69 = arith.constant 0 : i32
    %cond3A_70 = arith.cmpi ne, %convert_element_type3A_68, %cond3A_69 : i32
    scf.if %cond3A_70 {
      %get3A_71 = arith.constant 0 : index
      %get3A_72 = arith.constant 0 : index
      %get3A_73 = vector.load %arg9[%get3A_71, %get3A_72] : memref<128x2xf32, #tpu.memory_space<vmem>>, vector<128x2xf32>
      %swap3A_74 = arith.constant 0 : index
      %swap3A_75 = arith.constant 0 : index
      %swap3A_76 = vector.load %arg8[%swap3A_74, %swap3A_75] : memref<128x2xf32, #tpu.memory_space<vmem>>, vector<128x2xf32>
      tpu.vector_store %arg8[%swap3A_74, %swap3A_75], %get3A_73 {strides = array<i32>} : memref<128x2xf32, #tpu.memory_space<vmem>>, vector<128x2xf32>,
    } else {
    }
    return
  }
  func.func @transform_0(%arg0: i32) -> (i32, i32) {
    %c0_i32 = arith.constant 0 : i32
    %c0_i32_0 = arith.constant 0 : i32
    return %c0_i32, %arg0 : i32, i32
  }
  func.func @transform_1(%arg0: i32) -> (i32, i32) {
    %c0_i32 = arith.constant 0 : i32
    %c0_i32_0 = arith.constant 0 : i32
    %c0_i32_1 = arith.constant 0 : i32
    return %c0_i32, %c0_i32_0 : i32, i32
  }
  func.func @transform_2(%arg0: i32) -> (i32, i32) {
    %c0_i32 = arith.constant 0 : i32
    %c0_i32_0 = arith.constant 0 : i32
    %c0_i32_1 = arith.constant 0 : i32
    return %c0_i32, %c0_i32_0 : i32, i32
  }
  func.func @transform_3(%arg0: i32) -> (i32, i32) {
    %c0_i32 = arith.constant 0 : i32
    %c0_i32_0 = arith.constant 0 : i32
    %c0_i32_1 = arith.constant 0 : i32
    return %c0_i32, %c0_i32_0 : i32, i32
  }
  func.func @transform_4(%arg0: i32) -> (i32, i32) {
    %c0_i32 = arith.constant 0 : i32
    %c0_i32_0 = arith.constant 0 : i32
    %c0_i32_1 = arith.constant 0 : i32
    return %c0_i32, %c0_i32_0 : i32, i32
  }
  func.func @transform_5(%arg0: i32) -> (i32, i32) {
    %c0_i32 = arith.constant 0 : i32
    %c0_i32_0 = arith.constant 0 : i32
    %c0_i32_1 = arith.constant 0 : i32
    return %c0_i32, %c0_i32_0 : i32, i32
  }
  func.func @transform_6(%arg0: i32) -> (i32, i32) {
    %c0_i32 = arith.constant 0 : i32
    %c0_i32_0 = arith.constant 0 : i32
    return %c0_i32, %arg0 : i32, i32
  }
  func.func @transform_7(%arg0: i32) -> (i32, i32) {
    %c0_i32 = arith.constant 0 : i32
    %c0_i32_0 = arith.constant 0 : i32
    %c0_i32_1 = arith.constant 0 : i32
    return %c0_i32, %c0_i32_0 : i32, i32
  }
}

module attributes {stable_mosaic.version = 14 : i64} {
  func.func @_mlp1_body(%arg0: i32, %arg1: memref<416x2048xf32, #tpu.memory_space<vmem>>, %arg2: memref<2048x13xf32, #tpu.memory_space<vmem>>, %arg3: memref<256x416xf32, #tpu.memory_space<vmem>>, %arg4: memref<256x13xf32, #tpu.memory_space<vmem>>, %arg5: memref<256x1xf32, #tpu.memory_space<vmem>>, %arg6: memref<256x2048xbf16, #tpu.memory_space<vmem>>, %arg7: memref<256x2xf32, #tpu.memory_space<vmem>>, %arg8: memref<256x2xf32, #tpu.memory_space<vmem>>) attributes {dimension_semantics = [#tpu.dimension_semantics<arbitrary>], iteration_bounds = array<i64: 8>, scalar_prefetch = 0 : i64, scratch_operands = 1 : i64, tpu.core_type = #tpu.core_type<tc>, window_params = [{transform_indices = @transform_0, window_bounds = array<i64: 416, 2048>}, {transform_indices = @transform_1, window_bounds = array<i64: 2048, 13>}, {pipeline_mode = #tpu.pipeline_mode<synchronous>, transform_indices = @transform_2, window_bounds = array<i64: 256, 416>}, {pipeline_mode = #tpu.pipeline_mode<synchronous>, transform_indices = @transform_3, window_bounds = array<i64: 256, 13>}, {pipeline_mode = #tpu.pipeline_mode<synchronous>, transform_indices = @transform_4, window_bounds = array<i64: 256, 1>}, {transform_indices = @transform_5, window_bounds = array<i64: 256, 2048>}, {pipeline_mode = #tpu.pipeline_mode<synchronous>, transform_indices = @transform_6, window_bounds = array<i64: 256, 2>}]} {
    %eq3A = arith.constant 0 : i32
    %eq3A_0 = arith.cmpi eq, %arg0, %eq3A : i32
    %convert_element_type3A = arith.extui %eq3A_0 : i1 to i32
    %cond3A = arith.constant 0 : i32
    %cond3A_1 = arith.cmpi ne, %convert_element_type3A, %cond3A : i32
    scf.if %cond3A_1 {
      %broadcast_in_dim3A_40 = arith.constant 0.000000e+00 : f32
      %broadcast_in_dim3A_41 = vector.broadcast %broadcast_in_dim3A_40 : f32 to vector<256x2xf32>
      %swap3A_42 = arith.constant 0 : index
      %swap3A_43 = arith.constant 0 : index
      %swap3A_44 = vector.load %arg8[%swap3A_42, %swap3A_43] : memref<256x2xf32, #tpu.memory_space<vmem>>, vector<256x2xf32>
      tpu.vector_store %arg8[%swap3A_42, %swap3A_43], %broadcast_in_dim3A_41 {strides = array<i32>} : memref<256x2xf32, #tpu.memory_space<vmem>>, vector<256x2xf32>,
    } else {
    }
    %get3A = arith.constant 0 : index
    %get3A_2 = arith.constant 0 : index
    %get3A_3 = vector.load %arg3[%get3A, %get3A_2] : memref<256x416xf32, #tpu.memory_space<vmem>>, vector<256x416xf32>
    %get3A_4 = arith.constant 0 : index
    %get3A_5 = arith.constant 0 : index
    %get3A_6 = vector.load %arg1[%get3A_4, %get3A_5] : memref<416x2048xf32, #tpu.memory_space<vmem>>, vector<416x2048xf32>
    %dot_general3A = arith.constant dense<0.000000e+00> : vector<256x2048xf32>
    %dot_general3A_7 = tpu.matmul %get3A_3, %get3A_6, %dot_general3A {dimension_numbers = #tpu.dot_dimension_numbers<[1], [0], [0], [1], [0, 0, 1, 1], [], []>, transpose_lhs_hint = false} : vector<256x416xf32>, vector<416x2048xf32>, vector<256x2048xf32> -> vector<256x2048xf32>
    %get3A_8 = arith.constant 0 : index
    %get3A_9 = arith.constant 0 : index
    %get3A_10 = vector.load %arg4[%get3A_8, %get3A_9] : memref<256x13xf32, #tpu.memory_space<vmem>>, vector<256x13xf32>
    %get3A_11 = arith.constant 0 : index
    %get3A_12 = arith.constant 0 : index
    %get3A_13 = vector.load %arg2[%get3A_11, %get3A_12] : memref<2048x13xf32, #tpu.memory_space<vmem>>, vector<2048x13xf32>
    %dot_general3A_14 = arith.constant dense<0.000000e+00> : vector<256x2048xf32>
    %dot_general3A_15 = tpu.matmul %get3A_10, %get3A_13, %dot_general3A_14 {dimension_numbers = #tpu.dot_dimension_numbers<[1], [1], [0], [0], [0, 0, 1, 0], [], []>, transpose_lhs_hint = false} : vector<256x13xf32>, vector<2048x13xf32>, vector<256x2048xf32> -> vector<256x2048xf32>
    %add3A = arith.addf %dot_general3A_7, %dot_general3A_15 : vector<256x2048xf32>
    %get3A_16 = arith.constant 0 : index
    %get3A_17 = arith.constant 0 : index
    %get3A_18 = vector.load %arg5[%get3A_16, %get3A_17] : memref<256x1xf32, #tpu.memory_space<vmem>>, vector<256x1xf32>
    %add3A_19 = vector.broadcast %get3A_18 : vector<256x1xf32> to vector<256x2048xf32>
    %add3A_20 = arith.addf %add3A, %add3A_19 : vector<256x2048xf32>
    %convert_element_type3A_21 = arith.truncf %add3A_20 : vector<256x2048xf32> to vector<256x2048xbf16>
    %swap3A = arith.constant 0 : index
    %swap3A_22 = arith.constant 0 : index
    %swap3A_23 = vector.load %arg6[%swap3A, %swap3A_22] : memref<256x2048xbf16, #tpu.memory_space<vmem>>, vector<256x2048xbf16>
    tpu.vector_store %arg6[%swap3A, %swap3A_22], %convert_element_type3A_21 {strides = array<i32>} : memref<256x2048xbf16, #tpu.memory_space<vmem>>, vector<256x2048xbf16>,
    %get3A_24 = arith.constant 0 : index
    %get3A_25 = arith.constant 0 : index
    %get3A_26 = vector.load %arg8[%get3A_24, %get3A_25] : memref<256x2xf32, #tpu.memory_space<vmem>>, vector<256x2xf32>
    %reduce_sum3A = arith.constant dense<0.000000e+00> : vector<256xf32>
    %reduce_sum3A_27 = vector.multi_reduction <add>, %add3A_20, %reduce_sum3A [1] : vector<256x2048xf32> to vector<256xf32>
    %broadcast_in_dim3A = vector.shape_cast %reduce_sum3A_27 : vector<256xf32> to vector<256x1xf32>
    %mul3A = arith.mulf %add3A_20, %add3A_20 : vector<256x2048xf32>
    %reduce_sum3A_28 = arith.constant dense<0.000000e+00> : vector<256xf32>
    %reduce_sum3A_29 = vector.multi_reduction <add>, %mul3A, %reduce_sum3A_28 [1] : vector<256x2048xf32> to vector<256xf32>
    %broadcast_in_dim3A_30 = vector.shape_cast %reduce_sum3A_29 : vector<256xf32> to vector<256x1xf32>
    %concatenate3A = tpu.concatenate %broadcast_in_dim3A, %broadcast_in_dim3A_30 in 1 : vector<256x1xf32>, vector<256x1xf32> -> vector<256x2xf32>
    %add3A_31 = arith.addf %get3A_26, %concatenate3A : vector<256x2xf32>
    %swap3A_32 = arith.constant 0 : index
    %swap3A_33 = arith.constant 0 : index
    %swap3A_34 = vector.load %arg8[%swap3A_32, %swap3A_33] : memref<256x2xf32, #tpu.memory_space<vmem>>, vector<256x2xf32>
    tpu.vector_store %arg8[%swap3A_32, %swap3A_33], %add3A_31 {strides = array<i32>} : memref<256x2xf32, #tpu.memory_space<vmem>>, vector<256x2xf32>,
    %eq3A_35 = arith.constant 7 : i32
    %eq3A_36 = arith.cmpi eq, %arg0, %eq3A_35 : i32
    %convert_element_type3A_37 = arith.extui %eq3A_36 : i1 to i32
    %cond3A_38 = arith.constant 0 : i32
    %cond3A_39 = arith.cmpi ne, %convert_element_type3A_37, %cond3A_38 : i32
    scf.if %cond3A_39 {
      %get3A_40 = arith.constant 0 : index
      %get3A_41 = arith.constant 0 : index
      %get3A_42 = vector.load %arg8[%get3A_40, %get3A_41] : memref<256x2xf32, #tpu.memory_space<vmem>>, vector<256x2xf32>
      %swap3A_43 = arith.constant 0 : index
      %swap3A_44 = arith.constant 0 : index
      %swap3A_45 = vector.load %arg7[%swap3A_43, %swap3A_44] : memref<256x2xf32, #tpu.memory_space<vmem>>, vector<256x2xf32>
      tpu.vector_store %arg7[%swap3A_43, %swap3A_44], %get3A_42 {strides = array<i32>} : memref<256x2xf32, #tpu.memory_space<vmem>>, vector<256x2xf32>,
    } else {
    }
    return
  }
  func.func @transform_0(%arg0: i32) -> (i32, i32) {
    %c0_i32 = arith.constant 0 : i32
    %c0_i32_0 = arith.constant 0 : i32
    return %c0_i32, %arg0 : i32, i32
  }
  func.func @transform_1(%arg0: i32) -> (i32, i32) {
    %c0_i32 = arith.constant 0 : i32
    %c0_i32_0 = arith.constant 0 : i32
    return %arg0, %c0_i32 : i32, i32
  }
  func.func @transform_2(%arg0: i32) -> (i32, i32) {
    %c0_i32 = arith.constant 0 : i32
    %c0_i32_0 = arith.constant 0 : i32
    %c0_i32_1 = arith.constant 0 : i32
    return %c0_i32, %c0_i32_0 : i32, i32
  }
  func.func @transform_3(%arg0: i32) -> (i32, i32) {
    %c0_i32 = arith.constant 0 : i32
    %c0_i32_0 = arith.constant 0 : i32
    %c0_i32_1 = arith.constant 0 : i32
    return %c0_i32, %c0_i32_0 : i32, i32
  }
  func.func @transform_4(%arg0: i32) -> (i32, i32) {
    %c0_i32 = arith.constant 0 : i32
    %c0_i32_0 = arith.constant 0 : i32
    %c0_i32_1 = arith.constant 0 : i32
    return %c0_i32, %c0_i32_0 : i32, i32
  }
  func.func @transform_5(%arg0: i32) -> (i32, i32) {
    %c0_i32 = arith.constant 0 : i32
    %c0_i32_0 = arith.constant 0 : i32
    return %c0_i32, %arg0 : i32, i32
  }
  func.func @transform_6(%arg0: i32) -> (i32, i32) {
    %c0_i32 = arith.constant 0 : i32
    %c0_i32_0 = arith.constant 0 : i32
    %c0_i32_1 = arith.constant 0 : i32
    return %c0_i32, %c0_i32_0 : i32, i32
  }
}

module attributes {stable_mosaic.version = 14 : i64} {
  func.func @_mlp3_body(%arg0: i32, %arg1: memref<128x2048xbf16, #tpu.memory_space<vmem>>, %arg2: memref<128x2xf32, #tpu.memory_space<vmem>>, %arg3: memref<128x1xf32, #tpu.memory_space<vmem>>, %arg4: memref<128x1xf32, #tpu.memory_space<vmem>>, %arg5: memref<128x1xf32, #tpu.memory_space<vmem>>, %arg6: memref<1x1xf32, #tpu.memory_space<vmem>>, %arg7: memref<1x2048xf32, #tpu.memory_space<vmem>>) attributes {dimension_semantics = [#tpu.dimension_semantics<arbitrary>], iteration_bounds = array<i64: 8>, scalar_prefetch = 0 : i64, scratch_operands = 0 : i64, tpu.core_type = #tpu.core_type<tc>, window_params = [{transform_indices = @transform_0, window_bounds = array<i64: 128, 2048>}, {pipeline_mode = #tpu.pipeline_mode<synchronous>, transform_indices = @transform_1, window_bounds = array<i64: 128, 2>}, {pipeline_mode = #tpu.pipeline_mode<synchronous>, transform_indices = @transform_2, window_bounds = array<i64: 128, 1>}, {pipeline_mode = #tpu.pipeline_mode<synchronous>, transform_indices = @transform_3, window_bounds = array<i64: 128, 1>}, {pipeline_mode = #tpu.pipeline_mode<synchronous>, transform_indices = @transform_4, window_bounds = array<i64: 128, 1>}, {pipeline_mode = #tpu.pipeline_mode<synchronous>, transform_indices = @transform_5, window_bounds = array<i64: 1, 1>}, {transform_indices = @transform_6, window_bounds = array<i64: 1, 2048>}]} {
    %get3A = arith.constant 0 : index
    %get3A_0 = arith.constant 0 : index
    %get3A_1 = vector.load %arg2[%get3A, %get3A_0] : memref<128x2xf32, #tpu.memory_space<vmem>>, vector<128x1xf32>
    %mul3A = arith.constant 6.10351563E-5 : f32
    %mul3A_2 = vector.broadcast %mul3A : f32 to vector<128x1xf32>
    %mul3A_3 = arith.mulf %get3A_1, %mul3A_2 : vector<128x1xf32>
    %get3A_4 = arith.constant 0 : index
    %get3A_5 = arith.constant 1 : index
    %get3A_6 = vector.load %arg2[%get3A_4, %get3A_5] : memref<128x2xf32, #tpu.memory_space<vmem>>, vector<128x1xf32>
    %mul3A_7 = arith.constant 6.10351563E-5 : f32
    %mul3A_8 = vector.broadcast %mul3A_7 : f32 to vector<128x1xf32>
    %mul3A_9 = arith.mulf %get3A_6, %mul3A_8 : vector<128x1xf32>
    %mul3A_10 = arith.mulf %mul3A_3, %mul3A_3 : vector<128x1xf32>
    %sub3A = arith.subf %mul3A_9, %mul3A_10 : vector<128x1xf32>
    %add3A = arith.constant 9.99999974E-6 : f32
    %add3A_11 = vector.broadcast %add3A : f32 to vector<128x1xf32>
    %add3A_12 = arith.addf %sub3A, %add3A_11 : vector<128x1xf32>
    %rsqrt3A = math.rsqrt %add3A_12 : vector<128x1xf32>
    %get3A_13 = arith.constant 0 : index
    %get3A_14 = arith.constant 0 : index
    %get3A_15 = vector.load %arg1[%get3A_13, %get3A_14] : memref<128x2048xbf16, #tpu.memory_space<vmem>>, vector<128x2048xbf16>
    %convert_element_type3A = arith.extf %get3A_15 : vector<128x2048xbf16> to vector<128x2048xf32>
    %sub3A_16 = vector.broadcast %mul3A_3 : vector<128x1xf32> to vector<128x2048xf32>
    %sub3A_17 = arith.subf %convert_element_type3A, %sub3A_16 : vector<128x2048xf32>
    %get3A_18 = arith.constant 0 : index
    %get3A_19 = arith.constant 0 : index
    %get3A_20 = vector.load %arg3[%get3A_18, %get3A_19] : memref<128x1xf32, #tpu.memory_space<vmem>>, vector<128x1xf32>
    %mul3A_21 = arith.mulf %rsqrt3A, %get3A_20 : vector<128x1xf32>
    %mul3A_22 = vector.broadcast %mul3A_21 : vector<128x1xf32> to vector<128x2048xf32>
    %mul3A_23 = arith.mulf %sub3A_17, %mul3A_22 : vector<128x2048xf32>
    %get3A_24 = arith.constant 0 : index
    %get3A_25 = arith.constant 0 : index
    %get3A_26 = vector.load %arg4[%get3A_24, %get3A_25] : memref<128x1xf32, #tpu.memory_space<vmem>>, vector<128x1xf32>
    %add3A_27 = vector.broadcast %get3A_26 : vector<128x1xf32> to vector<128x2048xf32>
    %add3A_28 = arith.addf %mul3A_23, %add3A_27 : vector<128x2048xf32>
    %mul3A_29 = arith.constant 5.000000e-01 : f32
    %mul3A_30 = vector.broadcast %mul3A_29 : f32 to vector<128x2048xf32>
    %mul3A_31 = arith.mulf %mul3A_30, %add3A_28 : vector<128x2048xf32>
    %mul3A_32 = arith.constant 0.707106769 : f32
    %mul3A_33 = vector.broadcast %mul3A_32 : f32 to vector<128x2048xf32>
    %mul3A_34 = arith.mulf %add3A_28, %mul3A_33 : vector<128x2048xf32>
    %erf3A = math.erf %mul3A_34 : vector<128x2048xf32>
    %add3A_35 = arith.constant 1.000000e+00 : f32
    %add3A_36 = vector.broadcast %add3A_35 : f32 to vector<128x2048xf32>
    %add3A_37 = arith.addf %add3A_36, %erf3A : vector<128x2048xf32>
    %mul3A_38 = arith.mulf %mul3A_31, %add3A_37 : vector<128x2048xf32>
    %get3A_39 = arith.constant 0 : index
    %get3A_40 = arith.constant 0 : index
    %get3A_41 = vector.load %arg5[%get3A_39, %get3A_40] : memref<128x1xf32, #tpu.memory_space<vmem>>, vector<128x1xf32>
    %mul3A_42 = vector.broadcast %get3A_41 : vector<128x1xf32> to vector<128x2048xf32>
    %mul3A_43 = arith.mulf %mul3A_38, %mul3A_42 : vector<128x2048xf32>
    %reduce_sum3A = arith.constant dense<0.000000e+00> : vector<2048xf32>
    %reduce_sum3A_44 = vector.multi_reduction <add>, %mul3A_43, %reduce_sum3A [0] : vector<128x2048xf32> to vector<2048xf32>
    %broadcast_in_dim3A = vector.shape_cast %reduce_sum3A_44 : vector<2048xf32> to vector<1x2048xf32>
    %get3A_45 = arith.constant 0 : index
    %get3A_46 = arith.constant 0 : index
    %get3A_47 = vector.load %arg6[%get3A_45, %get3A_46] : memref<1x1xf32, #tpu.memory_space<vmem>>, vector<1x1xf32>
    %add3A_48 = vector.broadcast %get3A_47 : vector<1x1xf32> to vector<1x2048xf32>
    %add3A_49 = arith.addf %broadcast_in_dim3A, %add3A_48 : vector<1x2048xf32>
    %swap3A = arith.constant 0 : index
    %swap3A_50 = arith.constant 0 : index
    %swap3A_51 = vector.load %arg7[%swap3A, %swap3A_50] : memref<1x2048xf32, #tpu.memory_space<vmem>>, vector<1x2048xf32>
    tpu.vector_store %arg7[%swap3A, %swap3A_50], %add3A_49 {strides = array<i32>} : memref<1x2048xf32, #tpu.memory_space<vmem>>, vector<1x2048xf32>,
    return
  }
  func.func @transform_0(%arg0: i32) -> (i32, i32) {
    %c0_i32 = arith.constant 0 : i32
    %c0_i32_0 = arith.constant 0 : i32
    return %c0_i32, %arg0 : i32, i32
  }
  func.func @transform_1(%arg0: i32) -> (i32, i32) {
    %c0_i32 = arith.constant 0 : i32
    %c0_i32_0 = arith.constant 0 : i32
    %c0_i32_1 = arith.constant 0 : i32
    return %c0_i32, %c0_i32_0 : i32, i32
  }
  func.func @transform_2(%arg0: i32) -> (i32, i32) {
    %c0_i32 = arith.constant 0 : i32
    %c0_i32_0 = arith.constant 0 : i32
    %c0_i32_1 = arith.constant 0 : i32
    return %c0_i32, %c0_i32_0 : i32, i32
  }
  func.func @transform_3(%arg0: i32) -> (i32, i32) {
    %c0_i32 = arith.constant 0 : i32
    %c0_i32_0 = arith.constant 0 : i32
    %c0_i32_1 = arith.constant 0 : i32
    return %c0_i32, %c0_i32_0 : i32, i32
  }
  func.func @transform_4(%arg0: i32) -> (i32, i32) {
    %c0_i32 = arith.constant 0 : i32
    %c0_i32_0 = arith.constant 0 : i32
    %c0_i32_1 = arith.constant 0 : i32
    return %c0_i32, %c0_i32_0 : i32, i32
  }
  func.func @transform_5(%arg0: i32) -> (i32, i32) {
    %c0_i32 = arith.constant 0 : i32
    %c0_i32_0 = arith.constant 0 : i32
    %c0_i32_1 = arith.constant 0 : i32
    return %c0_i32, %c0_i32_0 : i32, i32
  }
  func.func @transform_6(%arg0: i32) -> (i32, i32) {
    %c0_i32 = arith.constant 0 : i32
    %c0_i32_0 = arith.constant 0 : i32
    return %c0_i32, %arg0 : i32, i32
  }
}

</mosaic_0001>

<sc_bundles>
// kernel: kernel.6.cloned.1.call-start
scs
__scs_entry_jumppad:
0x0: {  	(pc) =	sbr.rel $0x88, $3  }
0x1: {  	(tag) =	ssettag $0x0;
	lr =	simm.s32 $0x1  }
0x2: {  	[smem:$0x3F94] =	sst lr;
	_ =	strace $0xD0000000  }
0x3: {  	_ = 	snop  }
0x4: {  	_ = 	snop  }
0x5: {  	_ = 	snop  }
0x6: {  	_ = 	snop  }
0x7: {  	_ = 	snop  }
__scs_overlays_trampoline_lowered:
0x8: {  	[smem:$0x3FA3] =	sst s0  }
0x9: {  	[smem:$0x3FA4] =	sst s1  }
0xa: {  	[smem:$0x3FA5] =	sst s2  }
0xb: {  	[smem:$0x3FA6] =	sst s3  }
0xc: {  	[smem:$0x3FA7] =	sst s4  }
0xd: {  	[smem:$0x3FA8] =	sst s5  }
0xe: {  	[smem:$0x3FA9] =	sst s6  }
0xf: {  	[smem:$0x3FAA] =	sst s7  }
0x10: {  	[smem:$0x3FAB] =	sst s8  }
0x11: {  	[smem:$0x3FAC] =	sst s9;
	s0 =	simm.s32 @!p0 $0x0  }
0x12: {  	s1 =	sld [smem:$0x3F92];
	s0 =	simm.s32 @p0 $0x1  }
0x13: {  	[smem:$0x3FAD] =	sst s0;
	s0 =	simm.s32 @!p1 $0x0  }
0x14: {  	s2 =	sld [smem:$0x3F91];
	s0 =	simm.s32 @p1 $0x1  }
0x15: {  	[smem:$0x3FAE] =	sst s0;
	s0 =	simm.s32 @!p2 $0x0  }
0x16: {  	s3 =	sld [smem:$0x3FDB];
	s0 =	simm.s32 @p2 $0x1  }
0x17: {  	s4 =	simm.s32 $0x1BF5;
	[smem:$0x3FB0] =	sst s0  }
0x18: {  	s0 =	sld [smem:$0x3F93];
	_ =	swait.ge [sflag:s4], $0x0  }
0x19: {  	s7 =	sld [smem:$0x3F94]  }
0x1a: {  	s8 =	sadd.s32 $0xFFFFE003, lr  }
0x1b: {  	s9 =	sadd.s32 $0xFFFFFEF7, lr;
	s5 =	simm.s32 $0xFFFFFFFF;
	p2 =	slt.u32 s8, $0xFFFFF086  }
0x1c: {  	p1 =	slt.u32 s9, $0xF7A;
	s5 =	simm.s32 @!p2 $0x0  }
0x1d: {  	s5 =	simm.s32 @p1 $0x1;
	p0 =	seq.s32 s7, s2  }
0x1e: {  	s7 =	smul.u32 @!p0 $0xF7A, s2;
	p2 =	seq.s32 @!p0 s5, $0x0  }
0x1f: {  	s9 =	smul.u32 $0xF7A, s1;
	s8 =	simm.s32 @!p0 $0x1BF5;
	p2 =	por !p2, p0  }
0x20: {  	[sflag:s8] =	ssyncset.s32 @!p0 $0xFFFFF086;
	s6 =	sadd.s32 @!p0 s3, s7;
	s7 =	simm.s32 @!p0 $0x108  }
0x21: {  	s3 =	sadd.s32 s3, s9;
	s6 =	sadd.s32 @!p0 $0x88, s6;
	s7 =	simm.s32 @p2 $0x1082  }
0x22: {  	[simem:s7], [sflag:s8] =	dma.local @!p0 [hbm:s6], $0xF7A  }
0x23: {  	s9 =	sor.u32 $0xD0000000, s2;
	s6 =	simm.s32 $0x108;
	_ =	swait.ge @!p0 [sflag:s8], $0x0  }
0x24: {  	s3 =	sadd.s32 $0x88, s3;
	s6 =	simm.s32 @!p1 $0x1082;
	[sflag:s4] =	ssyncset.s32 $0xFFFFF086  }
0x25: {  	[simem:s6], [sflag:s4] =	dma.local [hbm:s3], $0xF7A  }
0x26: {  	[smem:$0x3F94] =	sst s1;
	(tag) =	ssettag s2;
	_ =	strace s9  }
0x27: {  	s1 =	sld [smem:$0x3FA4]  }
0x28: {  	s2 =	sld [smem:$0x3FA5]  }
0x29: {  	s4 =	sld [smem:$0x3FA7]  }
0x2a: {  	p0 =	seq.s32 s5, $0x0;
	s5 =	sld [smem:$0x3FA8]  }
0x2b: {  	s6 =	sld [smem:$0x3FA9]  }
0x2c: {  	s7 =	sld [smem:$0x3FAA]  }
0x2d: {  	s3 =	simm.s32 $0x108;
	s8 =	sld [smem:$0x3FAB]  }
0x2e: {  	s3 =	simm.s32 @!p0 $0x1082;
	s9 =	sld [smem:$0x3FAC]  }
0x2f: {  	lr =	sadd.s32 s0, s3;
	s0 =	sld [smem:$0x3FA3]  }
0x30: {  	s3 =	sld [smem:$0x3FA6]  }
0x31: {  	[smem:$0x3FAF] =	sst s10  }
0x32: {  	s10 =	sld [smem:$0x3FAD];
	_ =	sdelay $0x3  }
0x33: {  	p0 =	seq.s32 s10, $0x1;
	s10 =	sld [smem:$0x3FAF];
	_ =	sdelay $0x3  }
0x34: {  	[smem:$0x3FAF] =	sst s10  }
0x35: {  	s10 =	sld [smem:$0x3FAE];
	_ =	sdelay $0x3  }
0x36: {  	p1 =	seq.s32 s10, $0x1;
	s10 =	sld [smem:$0x3FAF];
	_ =	sdelay $0x3  }
0x37: {  	[smem:$0x3FAF] =	sst s10  }
0x38: {  	s10 =	sld [smem:$0x3FB0]  }
0x39: {  	_ = 	snop;
	(pc) =	sbr.ind lr, $3  }
0x3a: {  	_ = 	snop  }
0x3b: {  	_ = 	snop  }
0x3c: {  	p2 =	seq.s32 s10, $0x1;
	s10 =	sld [smem:$0x3FAF]  }
0x3d: {  	_ =	shalt  }
0x3e: {  	_ =	shalt  }
0x3f: {  	_ =	shalt  }
0x40: {  	_ =	shalt  }
0x41: {  	_ =	shalt  }
0x42: {  	_ =	shalt  }
0x43: {  	_ =	shalt  }
0x44: {  	_ =	shalt  }
0x45: {  	_ =	shalt  }
0x46: {  	_ =	shalt  }
0x47: {  	_ =	shalt  }
0x48: {  	_ =	shalt  }
0x49: {  	_ =	shalt  }
0x4a: {  	_ =	shalt  }
0x4b: {  	_ =	shalt  }
0x4c: {  	_ =	shalt  }
0x4d: {  	_ =	shalt  }
0x4e: {  	_ =	shalt  }
0x4f: {  	_ =	shalt  }
0x50: {  	_ =	shalt  }
0x51: {  	_ =	shalt  }
0x52: {  	_ =	shalt  }
0x53: {  	_ =	shalt  }
0x54: {  	_ =	shalt  }
0x55: {  	_ =	shalt  }
0x56: {  	_ =	shalt  }
0x57: {  	_ =	shalt  }
0x58: {  	_ =	shalt  }
0x59: {  	_ =	shalt  }
0x5a: {  	_ =	shalt  }
0x5b: {  	_ =	shalt  }
0x5c: {  	_ =	shalt  }
0x5d: {  	_ =	shalt  }
0x5e: {  	_ =	shalt  }
0x5f: {  	_ =	shalt  }
0x60: {  	_ =	shalt  }
0x61: {  	_ =	shalt  }
0x62: {  	_ =	shalt  }
0x63: {  	_ =	shalt  }
0x64: {  	_ =	shalt  }
0x65: {  	_ =	shalt  }
0x66: {  	_ =	shalt  }
0x67: {  	_ =	shalt  }
0x68: {  	_ =	shalt  }
0x69: {  	_ =	shalt  }
0x6a: {  	_ =	shalt  }
0x6b: {  	_ =	shalt  }
0x6c: {  	_ =	shalt  }
0x6d: {  	_ =	shalt  }
0x6e: {  	_ =	shalt  }
0x6f: {  	_ =	shalt  }
0x70: {  	_ =	shalt  }
0x71: {  	_ =	shalt  }
0x72: {  	_ =	shalt  }
0x73: {  	_ =	shalt  }
0x74: {  	_ =	shalt  }
0x75: {  	_ =	shalt  }
0x76: {  	_ =	shalt  }
0x77: {  	_ =	shalt  }
0x78: {  	_ =	shalt  }
0x79: {  	_ =	shalt  }
0x7a: {  	_ =	shalt  }
0x7b: {  	_ =	shalt  }
0x7c: {  	_ =	shalt  }
0x7d: {  	_ =	shalt  }
0x7e: {  	_ =	shalt  }
0x7f: {  	_ =	shalt  }
0x80: {  	_ =	shalt  }
0x81: {  	_ =	shalt  }
0x82: {  	_ =	shalt  }
0x83: {  	_ =	shalt  }
0x84: {  	_ =	shalt  }
0x85: {  	_ =	shalt  }
0x86: {  	_ =	shalt  }
0x87: {  	_ =	shalt  }
.Lfunc_end0:
.L_simem_size_0:
called_computation_lowered:
.L_overlay_start_0:
0x88: {  	s2 =	sld [smem:$0x3FD9]  }
0x89: {  	s3 =	sld [smem:$0x3FFE];
	_ =	sdelay $0x1  }
0x8a: {  	s1 =	srdreg.scid  }
0x8b: {  	s0 =	sand.u32 $0x1, s1  }
0x8c: {  	s17 =	sshll.u32 s0, $0xA;
	s2 =	sadd.s32 s3, s2  }
0x8d: {  	s2 =	sadd.s32 s2, s17  }
0x8e: {  	[smem:$0x3FBB] =	sst s2  }
0x8f: {  	_ = 	snop  }
0x90: {  	s2 =	sld [smem:$0x3FC8]  }
0x91: {  	s18 =	sld [smem:$0x3FBD];
	(tm) =	ssettm $0x1  }
0x92: {  	s4 =	sld [smem:$0x3FFB];
	_ =	sdelay $0x3  }
0x93: {  	_ =	strace s4  }
0x94: {  	s4 =	sld [smem:$0x3FFC];
	_ =	sdelay $0x3  }
0x95: {  	_ =	strace s4  }
0x96: {  	s4 =	sld [smem:$0x3FFD];
	_ =	sdelay $0x3  }
0x97: {  	_ =	strace s4  }
0x98: {  	_ =	strace $0x8FFFFFFF  }
0x99: {  	s19 =	sld [smem:$0x3FDB];
	_ =	sdelay $0x1  }
0x9a: {  	s5 =	simm.s32 $_scs_section_size  }
0x9b: {  	s6 =	simm.s32 $_size__tile_overlayer_lowered;
	s7 =	simm.s32 $_tile_overlayer_lowered  }
0x9c: {  	s22 =	simm.s32 $0x1BFF;
	s21 =	sshll.u32 s7, $0x1;
	s4 =	sadd.s32 s5, s19  }
0x9d: {  	s8 =	simm.s32 $0x0;
	s20 =	sshll.u32 s6, $0x1;
	s6 =	sadd.s32 s21, s4  }
0x9e: {  	[timem:s8], [sflag:s22] =	dma.local [hbm:s6], s20  }
0x9f: {  	_ =	swait.ge [sflag:s22], s20  }
0xa0: {  	s5 =	ssub.s32 $0x0, s20;
	[sflag:s22] =	ssyncset.done $0x0  }
0xa1: {  	[sflag:s22] =	ssyncadd.s32 s5;
	_ =	sdelay $0x1  }
0xa2: {  	s23 =	simm.s32 $0x1B8B  }
0xa3: {  	_ =	swait.ge [sflag:s23], $0x1  }
0xa4: {  	[sflag:s23] =	ssyncset.done $0x0  }
0xa5: {  	s25 =	simm.s32 $0x1B8E;
	s24 =	sld [smem:$0x3FFE];
	[sflag:s23] =	ssyncadd.s32 $0xFFFFFFFF  }
0xa6: {  	s26 =	simm.s32 $execute0_lowered;
	[smem:$0x3FD2] =	sst s25  }
0xa7: {  	s6 =	sshll.u32 s26, $0x1;
	_ =	strace $0x80000046;
	[dreg:$0x1] =	wrdreg $0xFFFFFFFF  }
0xa8: {  	s28 =	simm.s32 $_size_execute0_lowered;
	s4 =	sadd.s32 s4, s6;
	[dreg:$0x0] =	wrdreg $0x0  }
0xa9: {  	s6 =	sshll.u32 s28, $0x1;
	[dreg:$0x2] =	wrdreg s4  }
0xaa: {  	[dreg:$0x3] =	wrdreg s6  }
0xab: {  	[dreg:$0x4] =	wrdreg $0xC0  }
0xac: {  	_ =	task [dreg:s8], $0x5FFFF  }
0xad: {  	[dreg:$0x1] =	wrdreg $0xFFFFFFFF  }
0xae: {  	[dreg:$0x0] =	wrdreg $0x60  }
0xaf: {  	[dreg:$0x2] =	wrdreg s2  }
0xb0: {  	[dreg:$0x3] =	wrdreg s18  }
0xb1: {  	[dreg:$0x4] =	wrdreg s24  }
0xb2: {  	[dreg:$0x5] =	wrdreg $0x9  }
0xb3: {  	_ =	task.clear_ibuf [dreg:s8], $0x6FFFF;
	_ =	strace $0x90000046  }
0xb4: {  	s29 =	simm.s32 $0x9;
	_ =	strace $0x80000048  }
0xb5: {  	_ =	swait.ge [sflag:s29], $0x1  }
0xb6: {  	[sflag:s29] =	ssyncadd.s32 $0xFFFFFFFF  }
0xb7: {  	_ =	strace $0x90000048  }
0xb8: {  	_ =	sfence  }
0xb9: {  	s30 =	sld [smem:$0x0];
	_ =	sdelay $0x2  }
0xba: {  	s31 =	sshll.u32 s1, $0xD;
	s1 =	sshrl.u32 s1, $0x2  }
0xbb: {  	s3 =	sand.u32 $0x4000, s31;
	s1 =	sadd.s32 s1, s30  }
0xbc: {  	s0 =	sor.u32 s3, s0;
	s1 =	sshll.u32 s1, $0x11  }
0xbd: {  	s0 =	sor.u32 s1, s0  }
0xbe: {  	s0 =	sadd.s32 $0x8F2B, s0  }
0xbf: {  	[sflag:s0] =	ssyncadd.remote.s32 $0x1  }
0xc0: {  	_ =	sfence.sel $0xFFFF  }
0xc1: {  	[dreg:$0x0] =	wrdreg $0xFFFFFFFF;
	(pc) =	sbr.abs _section_cstart, $3  }
0xc2: {  	[dreg:$0x1] =	wrdreg $0xFFFFFFFF  }
0xc3: {  	_ =	task.clear_ibuf [dreg:s8], $0x2FFFF;
	_ =	strace $0x9FFFFFFF  }
0xc4: {  	(tm) =	ssettm $0x7FFFFFFF  }
0xc5: {  	_ =	shalt  }
tec
execute0_lowered:
.L_overlay_start_1:
0x0: {  	(tag) =	ssettag $0x1  }
0x1: {  	s1 =	rddreg [dreg:$0x0]  }
0x2: {  	s2 =	rddreg [dreg:$0x1]  }
0x3: {  	s5 =	rddreg [dreg:$0x2];
	s3 =	srdreg.scid  }
0x4: {  	s0 =	rddreg [dreg:$0x3];
	s4 =	simm.s32 $0x0;
	s10 =	simm.s32 $0x18700  }
0x5: {  	s11 =	simm.s32 $0x2;
	s12 =	simm.s32 $0x1;
	s13 =	simm.s32 $0x1C700  }
0x6: {  	s14 =	simm.s32 $0x1D700;
	s15 =	simm.s32 $0x3;
	s16 =	simm.s32 $0x4  }
0x7: {  	s17 =	simm.s32 $0x0;
	s6 =	sand.u32 $0x1, s3;
	[smem:$0x7FF] =	sst s4  }
0x8: {  	s3 =	stileid.u32;
	s5 =	sadd.s32 $0x2200, s5;
	s7 =	ssub.s32 $0x2, s6  }
0x9: {  	_ =	strace $0x80000047;
	s9 =	sshll.u32 s3, $0x1;
	s8 =	sshrl.u32 s7, $0x1  }
0xa: {  	s6 =	sor.u32 s6, s9;
	s9 =	simm.s32 $0x400;
	s7 =	ssub.s32 s7, s8  }
0xb: {  	s6 =	smul.u32 $0xD, s6;
	s8 =	simm.s32 $0x80;
	s7 =	smax.u32 s7, $0x1  }
.LBB2_1:
0xc: {  	s18 =	simm.s32 $0x0  }
.LBB2_2:
0xd: {  	s19 =	sadd.s32 s6, s18  }
0xe: {  	s21 =	sshrl.u32 s19, $0x4;
	s22 =	sand.u32 $0xF, s19  }
0xf: {  	p0 =	seq.s32 s18, $0x0;
	s20 =	smul.u32 $0x187000, s21;
	s23 =	sshrl.u32 s22, $0x3  }
0x10: {  	p1 =	sne.s32 @!p0 s22, $0x0;
	s23 =	smul.u32 $0xC3800, s23  }
0x11: {  	s24 =	sshll.u32 s19, $0x7;
	p1 =	por p0, !p1  }
.Ltmp0:
0x12: {  	s23 =	sadd.s32 s20, s23;
	s20 =	sand.u32 $0x380, s24;
	(pc) =	sbr.rel @p1 .LBB2_3-.Ltmp0, $4  }
0x13: {  	s23 =	sor.u32 s20, s23  }
0x14: {  	s23 =	sshrl.u32 s23, $0x3  }
0x15: {  	s23 =	sadd.s32 s1, s23  }
0x16: {  	[tilespmem:s4], [sflag:$0x1] =	stream.strided.gather [hbm4b:s23+s8], $0x18700, s9, s8, $0x38;
	[tilespmem:$0x1E700] =	vst v63  }
0x17: {  	_ =	swait.ge [sflag:s15], $0x1000  }
.Ltmp1:
0x18: {  	[sflag:s15] =	ssyncset.done $0x0;
	(pc) =	sbr.rel .LBB2_5-.Ltmp1, $4  }
0x19: {  	[sflag:s15] =	ssyncadd.s32 $0xFFFFF000  }
0x1a: {  	_ =	swait.ge [sflag:s16], $0x1000  }
0x1b: {  	[sflag:s16] =	ssyncset.done $0x0  }
0x1c: {  	[sflag:s16] =	ssyncadd.s32 $0xFFFFF000  }
.LBB2_3:
0x1d: {  	s21 =	sshll.u32 s21, $0xB;
	s22 =	sand.u32 $0x70, s19  }
0x1e: {  	s21 =	sand.u32 $0xFFFC000, s21;
	s22 =	sadd.s32 s2, s22  }
0x1f: {  	s21 =	sadd.s32 s21, s22  }
0x20: {  	[tilespmem:s10], [sflag:$0x2] =	stream.strided.gather [hbm4b:s21+s8], $0x4000, s9, s8, $0x38;
	[tilespmem:$0x1E700] =	vst v63  }
0x21: {  	s21 =	simm.s32 @!p0 $0x3  }
0x22: {  	_ =	swait.ge @!p0 [sflag:s21], $0x1000  }
0x23: {  	[sflag:s21] =	ssyncset.done @!p0 $0x0  }
0x24: {  	[sflag:s21] =	ssyncadd.s32 @!p0 $0xFFFFF000;
	s21 =	simm.s32 @!p0 $0x4  }
0x25: {  	_ =	swait.ge @!p0 [sflag:s21], $0x1000  }
0x26: {  	[sflag:s21] =	ssyncset.done @!p0 $0x0  }
0x27: {  	[sflag:s21] =	ssyncadd.s32 @!p0 $0xFFFFF000  }
0x28: {  	_ =	swait.ge [sflag:s11], $0x4000  }
0x29: {  	[sflag:s11] =	ssyncset.done $0x0  }
0x2a: {  	[sflag:s11] =	ssyncadd.s32 $0xFFFFC000  }
.LBB2_5:
0x2b: {  	s19 =	sshll.u32 s19, $0xE  }
0x2c: {  	s19 =	sand.u32 $0x7FFE0000, s19  }
0x2d: {  	_ =	swait.ge [sflag:s12], $0x18700;
	s19 =	sor.u32 s20, s19  }
0x2e: {  	s22 =	simm.s32 $0x0;
	[sflag:s12] =	ssyncset.done $0x0;
	s20 =	sshrl.u32 s19, $0x3  }
0x2f: {  	p1 =	por $0x1, $0x1;
	[sflag:s12] =	ssyncadd.s32 $0xFFFE7900;
	s20 =	sadd.s32 s5, s20  }
.LBB2_6:
0x30: {  	s23 =	simm.s32 @!p1 $0x3  }
0x31: {  	s21 =	sshll.u32 s22, $0xF;
	_ =	swait.ge @!p1 [sflag:s23], $0x1000  }
0x32: {  	s21 =	sshra.s32 s21, $0x2;
	[sflag:s23] =	ssyncset.done @!p1 $0x0  }
0x33: {  	s26 =	sadd.s32 $0x18740, s21;
	[sflag:s23] =	ssyncadd.s32 @!p1 $0xFFFFF000  }
0x34: {  	v0 =	vld [tilespmem:s26+$0x30]  }
0x35: {  	v1 =	vld [tilespmem:s26+$0xFFFFFFD0]  }
0x36: {  	v2 =	vld [tilespmem:s26+$0xFFFFFFE0]  }
0x37: {  	v3 =	vld [tilespmem:s26+$0xFFFFFFF0]  }
0x38: {  	v6 =	vld [tilespmem:s26+$0x0]  }
0x39: {  	v7 =	vld [tilespmem:s26+$0x10]  }
0x3a: {  	v8 =	vld [tilespmem:s26+$0x20]  }
0x3b: {  	v9 =	vld [tilespmem:s26+$0xFFFFFFC0]  }
0x3c: {  	v10 =	vld.idx.msk [tilespmem:v0+s4+$0x0], $0xffff  }
0x3d: {  	v11 =	vld.idx.msk [tilespmem:v1+s4+$0x0], $0xffff  }
0x3e: {  	v5 =	vld.idx.msk [tilespmem:v2+s4+$0x0], $0xffff  }
0x3f: {  	v4 =	vld.idx.msk [tilespmem:v3+s4+$0x0], $0xffff  }
0x40: {  	v2 =	vld.idx.msk [tilespmem:v6+s4+$0x0], $0xffff  }
0x41: {  	s24 =	simm.s32 $0x1C740;
	v1 =	vld.idx.msk [tilespmem:v7+s4+$0x0], $0xffff  }
0x42: {  	p0 =	por p1, p1;
	v0 =	vld.idx.msk [tilespmem:v8+s4+$0x0], $0xffff;
	[tilespmem:s24+$0x30] =	vst v10  }
0x43: {  	s25 =	simm.s32 $0x0;
	s23 =	sshll.u32 s22, $0xD;
	s26 =	sadd.s32 $0x80, s26;
	v3 =	vld.idx.msk [tilespmem:v9+s4+$0x0], $0xffff;
	[tilespmem:s24+$0xFFFFFFD0] =	vst v11  }
.LBB2_7:
0x44: {  	v6 =	vld [tilespmem:s26+$0x30];
	s25 =	sadd.s32 $0x8, s25;
	[tilespmem:s24+$0xFFFFFFE0] =	vst v5  }
0x45: {  	v5 =	vld [tilespmem:s26+$0xFFFFFFD0];
	p1 =	slt.u32 s25, $0xF8;
	[tilespmem:s24+$0xFFFFFFF0] =	vst v4  }
0x46: {  	v4 =	vld [tilespmem:s26+$0xFFFFFFE0];
	[tilespmem:s24+$0x0] =	vst v2  }
0x47: {  	v2 =	vld [tilespmem:s26+$0xFFFFFFF0];
	[tilespmem:s24+$0x10] =	vst v1  }
0x48: {  	v1 =	vld [tilespmem:s26+$0x0];
	[tilespmem:s24+$0x20] =	vst v0  }
0x49: {  	v0 =	vld [tilespmem:s26+$0x10];
	[tilespmem:s24+$0xFFFFFFC0] =	vst v3  }
0x4a: {  	v3 =	vld [tilespmem:s26+$0x20]  }
0x4b: {  	v7 =	vld [tilespmem:s26+$0xFFFFFFC0]  }
0x4c: {  	v6 =	vld.idx.msk [tilespmem:v6+s4+$0x0], $0xffff  }
0x4d: {  	v8 =	vld.idx.msk [tilespmem:v5+s4+$0x0], $0xffff  }
0x4e: {  	v5 =	vld.idx.msk [tilespmem:v4+s4+$0x0], $0xffff  }
.Ltmp2:
0x4f: {  	v4 =	vld.idx.msk [tilespmem:v2+s4+$0x0], $0xffff;
	(pc) =	sbr.rel @p1 .LBB2_7-.Ltmp2, $4  }
0x50: {  	v2 =	vld.idx.msk [tilespmem:v1+s4+$0x0], $0xffff  }
0x51: {  	s24 =	sadd.s32 $0x80, s24;
	v1 =	vld.idx.msk [tilespmem:v0+s4+$0x0], $0xffff  }
0x52: {  	v0 =	vld.idx.msk [tilespmem:v3+s4+$0x0], $0xffff;
	[tilespmem:s24+$0x30] =	vst v6  }
0x53: {  	s26 =	sadd.s32 $0x80, s26;
	v3 =	vld.idx.msk [tilespmem:v7+s4+$0x0], $0xffff;
	[tilespmem:s24+$0xFFFFFFD0] =	vst v8  }
0x54: {  	[tilespmem:s24+$0xFFFFFFE0] =	vst v5  }
0x55: {  	[tilespmem:s24+$0xFFFFFFF0] =	vst v4  }
0x56: {  	s22 =	sshll.u32 s22, $0x10;
	[tilespmem:s24+$0x0] =	vst v2  }
0x57: {  	s22 =	sor.u32 s19, s22;
	[tilespmem:s24+$0x10] =	vst v1  }
0x58: {  	s22 =	sshrl.u32 s22, $0x3;
	[tilespmem:s24+$0x20] =	vst v0  }
0x59: {  	s22 =	sadd.s32 s5, s22;
	[tilespmem:s24+$0xFFFFFFC0] =	vst v3  }
0x5a: {  	[hbm4b:s22+s8] =	stream.strided.scatter [tilespmem:s13], [sflag:$0x3], $0x1000, s9, s8, $0x38;
	[tilespmem:$0x1E700] =	vst v63  }
0x5b: {  	s22 =	simm.s32 @!p0 $0x4  }
0x5c: {  	_ =	swait.ge @!p0 [sflag:s22], $0x1000  }
0x5d: {  	[sflag:s22] =	ssyncset.done @!p0 $0x0  }
0x5e: {  	s31 =	sadd.s32 $0x19770, s21;
	[sflag:s22] =	ssyncadd.s32 @!p0 $0xFFFFF000  }
0x5f: {  	v0 =	vld [tilespmem:s31+$0x0]  }
0x60: {  	v1 =	vld [tilespmem:s31+$0xFFFFFFA0]  }
0x61: {  	v2 =	vld [tilespmem:s31+$0xFFFFFFB0]  }
0x62: {  	v3 =	vld [tilespmem:s31+$0xFFFFFFC0]  }
0x63: {  	v5 =	vld [tilespmem:s31+$0xFFFFFFD0]  }
0x64: {  	v6 =	vld [tilespmem:s31+$0xFFFFFFE0]  }
0x65: {  	v7 =	vld [tilespmem:s31+$0xFFFFFFF0]  }
0x66: {  	v8 =	vld [tilespmem:s31+$0xFFFFFF90]  }
0x67: {  	v9 =	vld.idx.msk [tilespmem:v0+s4+$0x0], $0xffff  }
0x68: {  	v10 =	vld.idx.msk [tilespmem:v1+s4+$0x0], $0xffff  }
0x69: {  	v4 =	vld.idx.msk [tilespmem:v2+s4+$0x0], $0xffff  }
0x6a: {  	v3 =	vld.idx.msk [tilespmem:v3+s4+$0x0], $0xffff  }
0x6b: {  	v0 =	vld.idx.msk [tilespmem:v5+s4+$0x0], $0xffff  }
0x6c: {  	s21 =	simm.s32 $0x1D740;
	v1 =	vld.idx.msk [tilespmem:v6+s4+$0x0], $0xffff  }
0x6d: {  	v2 =	vld.idx.msk [tilespmem:v7+s4+$0x0], $0xffff;
	[tilespmem:s21+$0x30] =	vst v9  }
0x6e: {  	s24 =	sadd.s32 $0x80, s31;
	s22 =	sor.u32 $0x1000, s23;
	s23 =	simm.s32 $0x0;
	v5 =	vld.idx.msk [tilespmem:v8+s4+$0x0], $0xffff;
	[tilespmem:s21+$0xFFFFFFD0] =	vst v10  }
.LBB2_9:
0x6f: {  	v6 =	vld [tilespmem:s24+$0x0];
	s23 =	sadd.s32 $0x8, s23;
	[tilespmem:s21+$0xFFFFFFE0] =	vst v4  }
0x70: {  	v4 =	vld [tilespmem:s24+$0xFFFFFFA0];
	p1 =	slt.u32 s23, $0xF8;
	[tilespmem:s21+$0xFFFFFFF0] =	vst v3  }
0x71: {  	v3 =	vld [tilespmem:s24+$0xFFFFFFB0];
	[tilespmem:s21+$0x0] =	vst v0  }
0x72: {  	v0 =	vld [tilespmem:s24+$0xFFFFFFC0];
	[tilespmem:s21+$0x10] =	vst v1  }
0x73: {  	v1 =	vld [tilespmem:s24+$0xFFFFFFD0];
	[tilespmem:s21+$0x20] =	vst v2  }
0x74: {  	v2 =	vld [tilespmem:s24+$0xFFFFFFE0];
	[tilespmem:s21+$0xFFFFFFC0] =	vst v5  }
0x75: {  	v5 =	vld [tilespmem:s24+$0xFFFFFFF0]  }
0x76: {  	v7 =	vld [tilespmem:s24+$0xFFFFFF90]  }
0x77: {  	v6 =	vld.idx.msk [tilespmem:v6+s4+$0x0], $0xffff  }
0x78: {  	v8 =	vld.idx.msk [tilespmem:v4+s4+$0x0], $0xffff  }
0x79: {  	v4 =	vld.idx.msk [tilespmem:v3+s4+$0x0], $0xffff  }
.Ltmp3:
0x7a: {  	v3 =	vld.idx.msk [tilespmem:v0+s4+$0x0], $0xffff;
	(pc) =	sbr.rel @p1 .LBB2_9-.Ltmp3, $4  }
0x7b: {  	v0 =	vld.idx.msk [tilespmem:v1+s4+$0x0], $0xffff  }
0x7c: {  	s21 =	sadd.s32 $0x80, s21;
	v1 =	vld.idx.msk [tilespmem:v2+s4+$0x0], $0xffff  }
0x7d: {  	v2 =	vld.idx.msk [tilespmem:v5+s4+$0x0], $0xffff;
	[tilespmem:s21+$0x30] =	vst v6  }
0x7e: {  	s24 =	sadd.s32 $0x80, s24;
	v5 =	vld.idx.msk [tilespmem:v7+s4+$0x0], $0xffff;
	[tilespmem:s21+$0xFFFFFFD0] =	vst v8  }
0x7f: {  	[tilespmem:s21+$0xFFFFFFE0] =	vst v4  }
0x80: {  	[tilespmem:s21+$0xFFFFFFF0] =	vst v3  }
.Ltmp4:
0x81: {  	[tilespmem:s21+$0x0] =	vst v0;
	(pc) =	sbr.rel @p0 .LBB2_6-.Ltmp4, $4  }
0x82: {  	[tilespmem:s21+$0x10] =	vst v1  }
0x83: {  	[tilespmem:s21+$0x20] =	vst v2  }
0x84: {  	s31 =	sadd.s32 s20, s22;
	s22 =	simm.s32 $0x1;
	p1 =	por $0x0, $0x0;
	[tilespmem:s21+$0xFFFFFFC0] =	vst v5  }
0x85: {  	[hbm4b:s31+s8] =	stream.strided.scatter [tilespmem:s14], [sflag:$0x4], $0x1000, s9, s8, $0x38;
	[tilespmem:$0x1E700] =	vst v63  }
0x86: {  	s18 =	sadd.s32 $0x1, s18  }
0x87: {  	p0 =	sne.s32 s18, $0xD  }
.Ltmp5:
0x88: {  	_ = 	snop;
	(pc) =	sbr.rel @p0 .LBB2_2-.Ltmp5, $1  }
0x89: {  	_ =	sdelay $0x3  }
0x8a: {  	s17 =	sadd.s32 $0x1, s17  }
0x8b: {  	_ =	swait.ge [sflag:s15], $0x1000;
	p0 =	sne.s32 s17, s7  }
.Ltmp6:
0x8c: {  	[sflag:s15] =	ssyncset.done $0x0;
	(pc) =	sbr.rel @p0 .LBB2_1-.Ltmp6, $4  }
0x8d: {  	[sflag:s15] =	ssyncadd.s32 $0xFFFFF000  }
0x8e: {  	_ =	swait.ge [sflag:s16], $0x1000  }
0x8f: {  	[sflag:s16] =	ssyncset.done $0x0  }
0x90: {  	[sflag:s16] =	ssyncadd.s32 $0xFFFFF000  }
0x91: {  	_ =	sfence.sel $0x180000  }
0x92: {  	[bflag:$0x0] =	sbarrier.arrive $0xFFFF  }
0x93: {  	p0 =	sne.s32 s3, $0x0;
	_ =	strace $0x90000047  }
0x94: {  	s0 =	sadd.s32 @!p0 $0x100000, s0;
	[bflag:$0x2] =	sbarrier.arrive $0xFFFF  }
0x95: {  	[sflag:s0] =	ssyncadd.tile.s32 @!p0 $0x1;
	_ =	shalt  }
.Lfunc_end2:
_tile_overlayer_lowered:
.L_overlay_start_2:
0x96: {  	(tag) =	ssettag $0x2  }
0x97: {  	s0 =	rddreg [dreg:$0x0];
	s2 =	stileid.u32  }
0x98: {  	s1 =	rddreg [dreg:$0x1];
	p0 =	sne.s32 s2, $0x0  }
0x99: {  	s3 =	rddreg [dreg:$0x2];
	[bflag:$0x3] =	sbarrier.arrive $0xFFFF;
	s2 =	simm.s32 @!p0 $0x1C05  }
0x9a: {  	[timem:s3], [sflag:s2] =	dma.local @!p0 [hbm:s0], s1  }
0x9b: {  	s0 =	simm.s32 @!p0 $0x5  }
0x9c: {  	_ =	swait.ge @!p0 [sflag:s0], s1  }
0x9d: {  	s1 =	ssub.s32 @!p0 $0x0, s1;
	[sflag:s0] =	ssyncset.done @!p0 $0x0  }
0x9e: {  	[sflag:s0] =	ssyncadd.s32 @!p0 s1  }
0x9f: {  	[bflag:$0x3] =	sbarrier.arrive $0xFFFF  }
0xa0: {  	_ =	shalt  }

</sc_bundles>
